<compile_context>
chip_gen: v7x
topology: tpu7x:2x2x1
jax: 0.10.2.dev20260603
libtpu: 0.0.44.dev20260713+nightly
codegen_flags: <defaults>
</compile_context>

<pallas_src>
import functools

import jax
import jax.numpy as jnp
from jax import lax
from jax.experimental import pallas as pl
from jax.experimental.pallas import tpu as pltpu
from jax.experimental.pallas import tpu_sc as plsc

D = 64
T = 200
BATCH = 4096
B = BATCH * T

_info = plsc.get_sparse_core_info()
_NC = _info.num_cores
_NS = _info.num_subcores
NW = _NC * _NS
BPW = B // NW
NBPW = BATCH // NW

CB = 2
C = CB * T
NCHUNK = BPW // C
NBUF = 4


@jax.jit
def _sc_gather(codes_f, table):
    mesh = plsc.VectorSubcoreMesh(core_axis_name="c", subcore_axis_name="s")

    @functools.partial(
        pl.kernel,
        out_type=jax.ShapeDtypeStruct((BATCH, T, D), jnp.float32),
        mesh=mesh,
        scratch_types=[
            pltpu.VMEM((BPW,), jnp.int32),
            pltpu.VMEM((NBUF, CB, T, D), jnp.float32),
            [pltpu.SemaphoreType.DMA] * NBUF,
            [pltpu.SemaphoreType.DMA] * NBUF,
        ],
        compiler_params=pltpu.CompilerParams(use_tc_tiling_on_sc=False),
    )
    def emb_kernel(codes_hbm, table_hbm, out_hbm, idx_v, rows_v, gsems, ssems):
        wid = lax.axis_index("s") * _NC + lax.axis_index("c")
        row0 = wid * BPW
        b0 = wid * NBPW

        def fire_gather(jj, b):
            for cb in range(CB):
                pltpu.async_copy(
                    table_hbm.at[idx_v.at[pl.ds(jj * C + cb * T, T)]],
                    rows_v.at[b, cb], gsems[b])

        def wait_gather(b):
            for cb in range(CB):
                pltpu.make_async_copy(
                    table_hbm.at[idx_v.at[pl.ds(0, T)]],
                    rows_v.at[b, cb], gsems[b]).wait()

        def fire_store(jj, b):
            pltpu.async_copy(rows_v.at[b],
                             out_hbm.at[pl.ds(b0 + jj * CB, CB)], ssems[b])

        def wait_store(b):
            pltpu.make_async_copy(rows_v.at[b],
                                  out_hbm.at[pl.ds(0, CB)], ssems[b]).wait()

        pltpu.sync_copy(codes_hbm.at[pl.ds(row0, BPW)], idx_v)
        fire_gather(0, 0)
        fire_gather(1, 1)

        def group(g):
            for p in range(NBUF):
                jj = g * NBUF + p
                if p >= 2:
                    wait_store(p - 2)
                else:
                    @pl.when(g > 0)
                    def _():
                        wait_store((p + 2) % NBUF)
                if p < 2:
                    fire_gather(jj + 2, (p + 2) % NBUF)
                else:
                    @pl.when(g < NCHUNK // NBUF - 1)
                    def _():
                        fire_gather(jj + 2, (p + 2) % NBUF)
                wait_gather(p)
                fire_store(jj, p)

        pl.loop(0, NCHUNK // NBUF)(group)
        wait_store((NCHUNK - 2) % NBUF)
        wait_store((NCHUNK - 1) % NBUF)

    return emb_kernel(codes_f, table)


def kernel(codes, table):
    codes_f = codes.reshape(B).astype(jnp.int32)
    return _sc_gather(codes_f, table)

# --- scband reference (transcript-rebuilt; emitter-appended) ---
"""Pipeline reference for scband-audio-token-embedding-export-38912403702111 (READ-ONLY COPY).

The authoritative reference and input builder live on the scoring server;
editing this copy changes nothing except your own understanding.
"""

import jax, jax.numpy as jnp
import numpy as np

NUM_EMBEDDINGS = 1000000
EMBEDDING_DIM = 64
BATCH = 4096
SEQ = 200

def setup_inputs(seed: int = 0) -> dict:
    key = jax.random.key(seed)
    k1, k2 = jax.random.split(key)
    codes = jax.random.randint(k1, (BATCH, SEQ), 0, NUM_EMBEDDINGS, dtype=jnp.int64 if jax.config.jax_enable_x64 else jnp.int32)
    table = jax.random.normal(k2, (NUM_EMBEDDINGS, EMBEDDING_DIM), dtype=jnp.float32) * 0.02
    return {"codes": codes, "table": table}

def reference(codes, table):
    # Faithful to nn.Embedding lookup: out[b, t, :] = table[codes[b, t], :]
    return jnp.take(table, codes, axis=0)

if __name__ == "__main__":
    import jax
    _d = setup_inputs()
    print(jax.jit(kernel)(*tuple(_d.values())))

</pallas_src>

<mosaic_0001>
#map = affine_map<(d0, d1) -> (0)>
#map1 = affine_map<(d0, d1) -> (0, 0)>
#map2 = affine_map<(d0, d1) -> (0, 0, 0)>
module attributes {stable_mosaic.version = 14 : i64} {
  func.func @emb_kernel(%arg0: i32, %arg1: i32, %arg2: memref<819200xi32, #tpu.memory_space<hbm>>, %arg3: memref<1000000x64xf32, #tpu.memory_space<hbm>>, %arg4: memref<4096x200x64xf32, #tpu.memory_space<hbm>>, %arg5: memref<25600xi32, #tpu.memory_space<vmem>>, %arg6: memref<4x2x200x64xf32, #tpu.memory_space<vmem>>, %arg7: memref<!tpu.dma_semaphore, #tpu.memory_space<semaphore_mem>>, %arg8: memref<!tpu.dma_semaphore, #tpu.memory_space<semaphore_mem>>, %arg9: memref<!tpu.dma_semaphore, #tpu.memory_space<semaphore_mem>>, %arg10: memref<!tpu.dma_semaphore, #tpu.memory_space<semaphore_mem>>, %arg11: memref<!tpu.dma_semaphore, #tpu.memory_space<semaphore_mem>>, %arg12: memref<!tpu.dma_semaphore, #tpu.memory_space<semaphore_mem>>, %arg13: memref<!tpu.dma_semaphore, #tpu.memory_space<semaphore_mem>>, %arg14: memref<!tpu.dma_semaphore, #tpu.memory_space<semaphore_mem>>) attributes {dimension_semantics = [#tpu.dimension_semantics<core_parallel>, #tpu.dimension_semantics<subcore_parallel>], iteration_bounds = array<i64: 2, 16>, scalar_prefetch = 0 : i64, scratch_operands = 10 : i64, tpu.core_type = #tpu.core_type<sc_vector_subcore>, window_params = [{transform_indices = #map}, {transform_indices = #map1}, {transform_indices = #map2}]} {
    %mul3A = arith.constant 2 : i32
    %mul3A_0 = arith.muli %arg1, %mul3A : i32
    %add3A = arith.addi %mul3A_0, %arg0 : i32
    %mul3A_1 = arith.constant 25600 : i32
    %mul3A_2 = arith.muli %add3A, %mul3A_1 : i32
    %mul3A_3 = arith.constant 128 : i32
    %mul3A_4 = arith.muli %add3A, %mul3A_3 : i32
    "tpu.region"() ({
      %run_scoped3A = tpu.sem_alloc : memref<!tpu.dma_semaphore, #tpu.memory_space<semaphore_mem>>
      %dma_start3A_89 = tpu.memref_slice %arg2[%mul3A_2] : memref<819200xi32, #tpu.memory_space<hbm>> -> memref<25600xi32, #tpu.memory_space<hbm>>
      %dma_start3A_90 = tpu.memref_slice %arg2[%mul3A_2] : memref<819200xi32, #tpu.memory_space<hbm>> -> memref<25600xi32, #tpu.memory_space<hbm>>
      tpu.enqueue_dma source(%dma_start3A_90 : memref<25600xi32, #tpu.memory_space<hbm>>) target(%arg5 : memref<25600xi32, #tpu.memory_space<vmem>>) target_semaphore(%run_scoped3A : memref<!tpu.dma_semaphore, #tpu.memory_space<semaphore_mem>>)
      %dma_wait3A_91 = tpu.memref_slice %arg2[%mul3A_2] : memref<819200xi32, #tpu.memory_space<hbm>> -> memref<25600xi32, #tpu.memory_space<hbm>>
      %dma_wait3A_92 = tpu.memref_slice %arg2[%mul3A_2] : memref<819200xi32, #tpu.memory_space<hbm>> -> memref<25600xi32, #tpu.memory_space<hbm>>
      tpu.wait_dma2 semaphore(%run_scoped3A : memref<!tpu.dma_semaphore, #tpu.memory_space<semaphore_mem>>) src(%dma_wait3A_92 : memref<25600xi32, #tpu.memory_space<hbm>>) dst(%arg5 : memref<25600xi32, #tpu.memory_space<vmem>>)
      tpu.yield
    }) : () -> ()
    %dma_start3A = arith.constant 0 : i32
    %dma_start3A_5 = arith.constant 0 : i32
    %dma_start3A_6 = arith.constant 0 : i32
    %dma_start3A_7 = arith.constant 0 : i32
    %dma_start3A_8 = tpu.memref_slice %arg6[%dma_start3A, %dma_start3A_5, %dma_start3A_6, %dma_start3A_7] : memref<4x2x200x64xf32, #tpu.memory_space<vmem>> -> memref<1x1x200x64xf32, #tpu.memory_space<vmem>>
    %dma_start3A_9 = tpu.memref_squeeze %dma_start3A_8 : memref<1x1x200x64xf32, #tpu.memory_space<vmem>> -> memref<200x64xf32, #tpu.memory_space<vmem>>
    %dma_start3A_10 = arith.constant 0 : i32
    %dma_start3A_11 = tpu.memref_slice %arg5[%dma_start3A_10] : memref<25600xi32, #tpu.memory_space<vmem>> -> memref<200xi32, #tpu.memory_space<vmem>>
    %dma_start3A_12 = arith.constant 0 : i32
    %dma_start3A_13 = arith.constant 0 : i32
    %dma_start3A_14 = tpu.memref_slice %arg3[%dma_start3A_12, %dma_start3A_13] : memref<1000000x64xf32, #tpu.memory_space<hbm>> -> memref<1000000x64xf32, #tpu.memory_space<hbm>>
    tpu.enqueue_indirect_dma source(%dma_start3A_14 : memref<1000000x64xf32, #tpu.memory_space<hbm>>) target(%dma_start3A_9 : memref<200x64xf32, #tpu.memory_space<vmem>>) offsets(%dma_start3A_11 : memref<200xi32, #tpu.memory_space<vmem>>) semaphore(%arg7 : memref<!tpu.dma_semaphore, #tpu.memory_space<semaphore_mem>>)
    %dma_start3A_15 = arith.constant 0 : i32
    %dma_start3A_16 = arith.constant 1 : i32
    %dma_start3A_17 = arith.constant 0 : i32
    %dma_start3A_18 = arith.constant 0 : i32
    %dma_start3A_19 = tpu.memref_slice %arg6[%dma_start3A_15, %dma_start3A_16, %dma_start3A_17, %dma_start3A_18] : memref<4x2x200x64xf32, #tpu.memory_space<vmem>> -> memref<1x1x200x64xf32, #tpu.memory_space<vmem>>
    %dma_start3A_20 = tpu.memref_squeeze %dma_start3A_19 : memref<1x1x200x64xf32, #tpu.memory_space<vmem>> -> memref<200x64xf32, #tpu.memory_space<vmem>>
    %dma_start3A_21 = arith.constant 200 : i32
    %dma_start3A_22 = tpu.memref_slice %arg5[%dma_start3A_21] : memref<25600xi32, #tpu.memory_space<vmem>> -> memref<200xi32, #tpu.memory_space<vmem>>
    %dma_start3A_23 = arith.constant 0 : i32
    %dma_start3A_24 = arith.constant 0 : i32
    %dma_start3A_25 = tpu.memref_slice %arg3[%dma_start3A_23, %dma_start3A_24] : memref<1000000x64xf32, #tpu.memory_space<hbm>> -> memref<1000000x64xf32, #tpu.memory_space<hbm>>
    tpu.enqueue_indirect_dma source(%dma_start3A_25 : memref<1000000x64xf32, #tpu.memory_space<hbm>>) target(%dma_start3A_20 : memref<200x64xf32, #tpu.memory_space<vmem>>) offsets(%dma_start3A_22 : memref<200xi32, #tpu.memory_space<vmem>>) semaphore(%arg7 : memref<!tpu.dma_semaphore, #tpu.memory_space<semaphore_mem>>)
    %dma_start3A_26 = arith.constant 1 : i32
    %dma_start3A_27 = arith.constant 0 : i32
    %dma_start3A_28 = arith.constant 0 : i32
    %dma_start3A_29 = arith.constant 0 : i32
    %dma_start3A_30 = tpu.memref_slice %arg6[%dma_start3A_26, %dma_start3A_27, %dma_start3A_28, %dma_start3A_29] : memref<4x2x200x64xf32, #tpu.memory_space<vmem>> -> memref<1x1x200x64xf32, #tpu.memory_space<vmem>>
    %dma_start3A_31 = tpu.memref_squeeze %dma_start3A_30 : memref<1x1x200x64xf32, #tpu.memory_space<vmem>> -> memref<200x64xf32, #tpu.memory_space<vmem>>
    %dma_start3A_32 = arith.constant 400 : i32
    %dma_start3A_33 = tpu.memref_slice %arg5[%dma_start3A_32] : memref<25600xi32, #tpu.memory_space<vmem>> -> memref<200xi32, #tpu.memory_space<vmem>>
    %dma_start3A_34 = arith.constant 0 : i32
    %dma_start3A_35 = arith.constant 0 : i32
    %dma_start3A_36 = tpu.memref_slice %arg3[%dma_start3A_34, %dma_start3A_35] : memref<1000000x64xf32, #tpu.memory_space<hbm>> -> memref<1000000x64xf32, #tpu.memory_space<hbm>>
    tpu.enqueue_indirect_dma source(%dma_start3A_36 : memref<1000000x64xf32, #tpu.memory_space<hbm>>) target(%dma_start3A_31 : memref<200x64xf32, #tpu.memory_space<vmem>>) offsets(%dma_start3A_33 : memref<200xi32, #tpu.memory_space<vmem>>) semaphore(%arg8 : memref<!tpu.dma_semaphore, #tpu.memory_space<semaphore_mem>>)
    %dma_start3A_37 = arith.constant 1 : i32
    %dma_start3A_38 = arith.constant 1 : i32
    %dma_start3A_39 = arith.constant 0 : i32
    %dma_start3A_40 = arith.constant 0 : i32
    %dma_start3A_41 = tpu.memref_slice %arg6[%dma_start3A_37, %dma_start3A_38, %dma_start3A_39, %dma_start3A_40] : memref<4x2x200x64xf32, #tpu.memory_space<vmem>> -> memref<1x1x200x64xf32, #tpu.memory_space<vmem>>
    %dma_start3A_42 = tpu.memref_squeeze %dma_start3A_41 : memref<1x1x200x64xf32, #tpu.memory_space<vmem>> -> memref<200x64xf32, #tpu.memory_space<vmem>>
    %dma_start3A_43 = arith.constant 600 : i32
    %dma_start3A_44 = tpu.memref_slice %arg5[%dma_start3A_43] : memref<25600xi32, #tpu.memory_space<vmem>> -> memref<200xi32, #tpu.memory_space<vmem>>
    %dma_start3A_45 = arith.constant 0 : i32
    %dma_start3A_46 = arith.constant 0 : i32
    %dma_start3A_47 = tpu.memref_slice %arg3[%dma_start3A_45, %dma_start3A_46] : memref<1000000x64xf32, #tpu.memory_space<hbm>> -> memref<1000000x64xf32, #tpu.memory_space<hbm>>
    tpu.enqueue_indirect_dma source(%dma_start3A_47 : memref<1000000x64xf32, #tpu.memory_space<hbm>>) target(%dma_start3A_42 : memref<200x64xf32, #tpu.memory_space<vmem>>) offsets(%dma_start3A_44 : memref<200xi32, #tpu.memory_space<vmem>>) semaphore(%arg8 : memref<!tpu.dma_semaphore, #tpu.memory_space<semaphore_mem>>)
    %scan3A = arith.constant 0 : i32
    %scan3A_48 = arith.constant 16 : i32
    %scan3A_49 = arith.addi %scan3A, %scan3A_48 : i32
    %scan3A_50 = arith.constant 1 : i32
    scf.for %scan3A_89 = %scan3A to %scan3A_49 step %scan3A_50  : i32 {
      %mul3A_90 = arith.constant 1 : i32
      %mul3A_91 = arith.muli %scan3A_89, %mul3A_90 : i32
      %add3A_92 = arith.constant 0 : i32
      %add3A_93 = arith.addi %add3A_92, %mul3A_91 : i32
      %mul3A_94 = arith.constant 4 : i32
      %mul3A_95 = arith.muli %add3A_93, %mul3A_94 : i32
      %add3A_96 = arith.constant 0 : i32
      %add3A_97 = arith.addi %mul3A_95, %add3A_96 : i32
      %gt3A = arith.constant 0 : i32
      %gt3A_98 = arith.cmpi sgt, %add3A_93, %gt3A : i32
      %convert_element_type3A = arith.extui %gt3A_98 : i1 to i32
      %cond3A = arith.constant 0 : i32
      %cond3A_99 = arith.cmpi ne, %convert_element_type3A, %cond3A : i32
      scf.if %cond3A_99 {
        %dma_wait3A_392 = arith.constant 2 : i32
        %dma_wait3A_393 = arith.constant 0 : i32
        %dma_wait3A_394 = arith.constant 0 : i32
        %dma_wait3A_395 = arith.constant 0 : i32
        %dma_wait3A_396 = tpu.memref_slice %arg6[%dma_wait3A_392, %dma_wait3A_393, %dma_wait3A_394, %dma_wait3A_395] : memref<4x2x200x64xf32, #tpu.memory_space<vmem>> -> memref<1x2x200x64xf32, #tpu.memory_space<vmem>>
        %dma_wait3A_397 = tpu.memref_squeeze %dma_wait3A_396 : memref<1x2x200x64xf32, #tpu.memory_space<vmem>> -> memref<2x200x64xf32, #tpu.memory_space<vmem>>
        %dma_wait3A_398 = arith.constant 0 : i32
        %dma_wait3A_399 = arith.constant 0 : i32
        %dma_wait3A_400 = arith.constant 0 : i32
        %dma_wait3A_401 = tpu.memref_slice %arg4[%dma_wait3A_398, %dma_wait3A_399, %dma_wait3A_400] : memref<4096x200x64xf32, #tpu.memory_space<hbm>> -> memref<2x200x64xf32, #tpu.memory_space<hbm>>
        %dma_wait3A_402 = arith.constant 0 : i32
        %dma_wait3A_403 = arith.constant 0 : i32
        %dma_wait3A_404 = arith.constant 0 : i32
        %dma_wait3A_405 = tpu.memref_slice %arg4[%dma_wait3A_402, %dma_wait3A_403, %dma_wait3A_404] : memref<4096x200x64xf32, #tpu.memory_space<hbm>> -> memref<2x200x64xf32, #tpu.memory_space<hbm>>
        %dma_wait3A_406 = arith.constant 0 : i32
        %dma_wait3A_407 = arith.constant 0 : i32
        %dma_wait3A_408 = arith.constant 0 : i32
        %dma_wait3A_409 = tpu.memref_slice %arg6[%dma_wait3A_392, %dma_wait3A_406, %dma_wait3A_407, %dma_wait3A_408] : memref<4x2x200x64xf32, #tpu.memory_space<vmem>> -> memref<1x2x200x64xf32, #tpu.memory_space<vmem>>
        %dma_wait3A_410 = tpu.memref_squeeze %dma_wait3A_409 : memref<1x2x200x64xf32, #tpu.memory_space<vmem>> -> memref<2x200x64xf32, #tpu.memory_space<vmem>>
        tpu.wait_dma2 semaphore(%arg13 : memref<!tpu.dma_semaphore, #tpu.memory_space<semaphore_mem>>) src(%dma_wait3A_410 : memref<2x200x64xf32, #tpu.memory_space<vmem>>) dst(%dma_wait3A_405 : memref<2x200x64xf32, #tpu.memory_space<hbm>>)
      } else {
      }
      %add3A_100 = arith.constant 2 : i32
      %add3A_101 = arith.addi %add3A_97, %add3A_100 : i32
      %mul3A_102 = arith.constant 400 : i32
      %mul3A_103 = arith.muli %add3A_101, %mul3A_102 : i32
      %add3A_104 = arith.constant 0 : i32
      %add3A_105 = arith.addi %mul3A_103, %add3A_104 : i32
      %dma_start3A_106 = arith.constant 2 : i32
      %dma_start3A_107 = arith.constant 0 : i32
      %dma_start3A_108 = arith.constant 0 : i32
      %dma_start3A_109 = arith.constant 0 : i32
      %dma_start3A_110 = tpu.memref_slice %arg6[%dma_start3A_106, %dma_start3A_107, %dma_start3A_108, %dma_start3A_109] : memref<4x2x200x64xf32, #tpu.memory_space<vmem>> -> memref<1x1x200x64xf32, #tpu.memory_space<vmem>>
      %dma_start3A_111 = tpu.memref_squeeze %dma_start3A_110 : memref<1x1x200x64xf32, #tpu.memory_space<vmem>> -> memref<200x64xf32, #tpu.memory_space<vmem>>
      %dma_start3A_112 = tpu.memref_slice %arg5[%add3A_105] : memref<25600xi32, #tpu.memory_space<vmem>> -> memref<200xi32, #tpu.memory_space<vmem>>
      %dma_start3A_113 = arith.constant 0 : i32
      %dma_start3A_114 = arith.constant 0 : i32
      %dma_start3A_115 = tpu.memref_slice %arg3[%dma_start3A_113, %dma_start3A_114] : memref<1000000x64xf32, #tpu.memory_space<hbm>> -> memref<1000000x64xf32, #tpu.memory_space<hbm>>
      tpu.enqueue_indirect_dma source(%dma_start3A_115 : memref<1000000x64xf32, #tpu.memory_space<hbm>>) target(%dma_start3A_111 : memref<200x64xf32, #tpu.memory_space<vmem>>) offsets(%dma_start3A_112 : memref<200xi32, #tpu.memory_space<vmem>>) semaphore(%arg9 : memref<!tpu.dma_semaphore, #tpu.memory_space<semaphore_mem>>)
      %mul3A_116 = arith.constant 400 : i32
      %mul3A_117 = arith.muli %add3A_101, %mul3A_116 : i32
      %add3A_118 = arith.constant 200 : i32
      %add3A_119 = arith.addi %mul3A_117, %add3A_118 : i32
      %dma_start3A_120 = arith.constant 2 : i32
      %dma_start3A_121 = arith.constant 1 : i32
      %dma_start3A_122 = arith.constant 0 : i32
      %dma_start3A_123 = arith.constant 0 : i32
      %dma_start3A_124 = tpu.memref_slice %arg6[%dma_start3A_120, %dma_start3A_121, %dma_start3A_122, %dma_start3A_123] : memref<4x2x200x64xf32, #tpu.memory_space<vmem>> -> memref<1x1x200x64xf32, #tpu.memory_space<vmem>>
      %dma_start3A_125 = tpu.memref_squeeze %dma_start3A_124 : memref<1x1x200x64xf32, #tpu.memory_space<vmem>> -> memref<200x64xf32, #tpu.memory_space<vmem>>
      %dma_start3A_126 = tpu.memref_slice %arg5[%add3A_119] : memref<25600xi32, #tpu.memory_space<vmem>> -> memref<200xi32, #tpu.memory_space<vmem>>
      %dma_start3A_127 = arith.constant 0 : i32
      %dma_start3A_128 = arith.constant 0 : i32
      %dma_start3A_129 = tpu.memref_slice %arg3[%dma_start3A_127, %dma_start3A_128] : memref<1000000x64xf32, #tpu.memory_space<hbm>> -> memref<1000000x64xf32, #tpu.memory_space<hbm>>
      tpu.enqueue_indirect_dma source(%dma_start3A_129 : memref<1000000x64xf32, #tpu.memory_space<hbm>>) target(%dma_start3A_125 : memref<200x64xf32, #tpu.memory_space<vmem>>) offsets(%dma_start3A_126 : memref<200xi32, #tpu.memory_space<vmem>>) semaphore(%arg9 : memref<!tpu.dma_semaphore, #tpu.memory_space<semaphore_mem>>)
      %dma_wait3A_130 = arith.constant 0 : i32
      %dma_wait3A_131 = arith.constant 0 : i32
      %dma_wait3A_132 = arith.constant 0 : i32
      %dma_wait3A_133 = arith.constant 0 : i32
      %dma_wait3A_134 = tpu.memref_slice %arg6[%dma_wait3A_130, %dma_wait3A_131, %dma_wait3A_132, %dma_wait3A_133] : memref<4x2x200x64xf32, #tpu.memory_space<vmem>> -> memref<1x1x200x64xf32, #tpu.memory_space<vmem>>
      %dma_wait3A_135 = tpu.memref_squeeze %dma_wait3A_134 : memref<1x1x200x64xf32, #tpu.memory_space<vmem>> -> memref<200x64xf32, #tpu.memory_space<vmem>>
      %dma_wait3A_136 = arith.constant 0 : i32
      %dma_wait3A_137 = tpu.memref_slice %arg5[%dma_wait3A_136] : memref<25600xi32, #tpu.memory_space<vmem>> -> memref<200xi32, #tpu.memory_space<vmem>>
      %dma_wait3A_138 = arith.constant 0 : i32
      %dma_wait3A_139 = arith.constant 0 : i32
      %dma_wait3A_140 = tpu.memref_slice %arg3[%dma_wait3A_138, %dma_wait3A_139] : memref<1000000x64xf32, #tpu.memory_space<hbm>> -> memref<1000000x64xf32, #tpu.memory_space<hbm>>
      tpu.wait_indirect_dma semaphore(%arg7 : memref<!tpu.dma_semaphore, #tpu.memory_space<semaphore_mem>>) src(%dma_wait3A_140 : memref<1000000x64xf32, #tpu.memory_space<hbm>>) dst(%dma_wait3A_135 : memref<200x64xf32, #tpu.memory_space<vmem>>)
      %dma_wait3A_141 = arith.constant 0 : i32
      %dma_wait3A_142 = arith.constant 1 : i32
      %dma_wait3A_143 = arith.constant 0 : i32
      %dma_wait3A_144 = arith.constant 0 : i32
      %dma_wait3A_145 = tpu.memref_slice %arg6[%dma_wait3A_141, %dma_wait3A_142, %dma_wait3A_143, %dma_wait3A_144] : memref<4x2x200x64xf32, #tpu.memory_space<vmem>> -> memref<1x1x200x64xf32, #tpu.memory_space<vmem>>
      %dma_wait3A_146 = tpu.memref_squeeze %dma_wait3A_145 : memref<1x1x200x64xf32, #tpu.memory_space<vmem>> -> memref<200x64xf32, #tpu.memory_space<vmem>>
      %dma_wait3A_147 = arith.constant 0 : i32
      %dma_wait3A_148 = tpu.memref_slice %arg5[%dma_wait3A_147] : memref<25600xi32, #tpu.memory_space<vmem>> -> memref<200xi32, #tpu.memory_space<vmem>>
      %dma_wait3A_149 = arith.constant 0 : i32
      %dma_wait3A_150 = arith.constant 0 : i32
      %dma_wait3A_151 = tpu.memref_slice %arg3[%dma_wait3A_149, %dma_wait3A_150] : memref<1000000x64xf32, #tpu.memory_space<hbm>> -> memref<1000000x64xf32, #tpu.memory_space<hbm>>
      tpu.wait_indirect_dma semaphore(%arg7 : memref<!tpu.dma_semaphore, #tpu.memory_space<semaphore_mem>>) src(%dma_wait3A_151 : memref<1000000x64xf32, #tpu.memory_space<hbm>>) dst(%dma_wait3A_146 : memref<200x64xf32, #tpu.memory_space<vmem>>)
      %mul3A_152 = arith.constant 2 : i32
      %mul3A_153 = arith.muli %add3A_97, %mul3A_152 : i32
      %add3A_154 = arith.addi %mul3A_4, %mul3A_153 : i32
      %dma_start3A_155 = arith.constant 0 : i32
      %dma_start3A_156 = arith.constant 0 : i32
      %dma_start3A_157 = arith.constant 0 : i32
      %dma_start3A_158 = arith.constant 0 : i32
      %dma_start3A_159 = tpu.memref_slice %arg6[%dma_start3A_155, %dma_start3A_156, %dma_start3A_157, %dma_start3A_158] : memref<4x2x200x64xf32, #tpu.memory_space<vmem>> -> memref<1x2x200x64xf32, #tpu.memory_space<vmem>>
      %dma_start3A_160 = tpu.memref_squeeze %dma_start3A_159 : memref<1x2x200x64xf32, #tpu.memory_space<vmem>> -> memref<2x200x64xf32, #tpu.memory_space<vmem>>
      %dma_start3A_161 = arith.constant 0 : i32
      %dma_start3A_162 = arith.constant 0 : i32
      %dma_start3A_163 = tpu.memref_slice %arg4[%add3A_154, %dma_start3A_161, %dma_start3A_162] : memref<4096x200x64xf32, #tpu.memory_space<hbm>> -> memref<2x200x64xf32, #tpu.memory_space<hbm>>
      %dma_start3A_164 = arith.constant 0 : i32
      %dma_start3A_165 = arith.constant 0 : i32
      %dma_start3A_166 = tpu.memref_slice %arg4[%add3A_154, %dma_start3A_164, %dma_start3A_165] : memref<4096x200x64xf32, #tpu.memory_space<hbm>> -> memref<2x200x64xf32, #tpu.memory_space<hbm>>
      %dma_start3A_167 = arith.constant 0 : i32
      %dma_start3A_168 = arith.constant 0 : i32
      %dma_start3A_169 = arith.constant 0 : i32
      %dma_start3A_170 = tpu.memref_slice %arg6[%dma_start3A_155, %dma_start3A_167, %dma_start3A_168, %dma_start3A_169] : memref<4x2x200x64xf32, #tpu.memory_space<vmem>> -> memref<1x2x200x64xf32, #tpu.memory_space<vmem>>
      %dma_start3A_171 = tpu.memref_squeeze %dma_start3A_170 : memref<1x2x200x64xf32, #tpu.memory_space<vmem>> -> memref<2x200x64xf32, #tpu.memory_space<vmem>>
      tpu.enqueue_dma source(%dma_start3A_171 : memref<2x200x64xf32, #tpu.memory_space<vmem>>) target(%dma_start3A_166 : memref<2x200x64xf32, #tpu.memory_space<hbm>>) target_semaphore(%arg11 : memref<!tpu.dma_semaphore, #tpu.memory_space<semaphore_mem>>)
      %mul3A_172 = arith.constant 4 : i32
      %mul3A_173 = arith.muli %add3A_93, %mul3A_172 : i32
      %add3A_174 = arith.constant 1 : i32
      %add3A_175 = arith.addi %mul3A_173, %add3A_174 : i32
      %gt3A_176 = arith.constant 0 : i32
      %gt3A_177 = arith.cmpi sgt, %add3A_93, %gt3A_176 : i32
      %convert_element_type3A_178 = arith.extui %gt3A_177 : i1 to i32
      %cond3A_179 = arith.constant 0 : i32
      %cond3A_180 = arith.cmpi ne, %convert_element_type3A_178, %cond3A_179 : i32
      scf.if %cond3A_180 {
        %dma_wait3A_392 = arith.constant 3 : i32
        %dma_wait3A_393 = arith.constant 0 : i32
        %dma_wait3A_394 = arith.constant 0 : i32
        %dma_wait3A_395 = arith.constant 0 : i32
        %dma_wait3A_396 = tpu.memref_slice %arg6[%dma_wait3A_392, %dma_wait3A_393, %dma_wait3A_394, %dma_wait3A_395] : memref<4x2x200x64xf32, #tpu.memory_space<vmem>> -> memref<1x2x200x64xf32, #tpu.memory_space<vmem>>
        %dma_wait3A_397 = tpu.memref_squeeze %dma_wait3A_396 : memref<1x2x200x64xf32, #tpu.memory_space<vmem>> -> memref<2x200x64xf32, #tpu.memory_space<vmem>>
        %dma_wait3A_398 = arith.constant 0 : i32
        %dma_wait3A_399 = arith.constant 0 : i32
        %dma_wait3A_400 = arith.constant 0 : i32
        %dma_wait3A_401 = tpu.memref_slice %arg4[%dma_wait3A_398, %dma_wait3A_399, %dma_wait3A_400] : memref<4096x200x64xf32, #tpu.memory_space<hbm>> -> memref<2x200x64xf32, #tpu.memory_space<hbm>>
        %dma_wait3A_402 = arith.constant 0 : i32
        %dma_wait3A_403 = arith.constant 0 : i32
        %dma_wait3A_404 = arith.constant 0 : i32
        %dma_wait3A_405 = tpu.memref_slice %arg4[%dma_wait3A_402, %dma_wait3A_403, %dma_wait3A_404] : memref<4096x200x64xf32, #tpu.memory_space<hbm>> -> memref<2x200x64xf32, #tpu.memory_space<hbm>>
        %dma_wait3A_406 = arith.constant 0 : i32
        %dma_wait3A_407 = arith.constant 0 : i32
        %dma_wait3A_408 = arith.constant 0 : i32
        %dma_wait3A_409 = tpu.memref_slice %arg6[%dma_wait3A_392, %dma_wait3A_406, %dma_wait3A_407, %dma_wait3A_408] : memref<4x2x200x64xf32, #tpu.memory_space<vmem>> -> memref<1x2x200x64xf32, #tpu.memory_space<vmem>>
        %dma_wait3A_410 = tpu.memref_squeeze %dma_wait3A_409 : memref<1x2x200x64xf32, #tpu.memory_space<vmem>> -> memref<2x200x64xf32, #tpu.memory_space<vmem>>
        tpu.wait_dma2 semaphore(%arg14 : memref<!tpu.dma_semaphore, #tpu.memory_space<semaphore_mem>>) src(%dma_wait3A_410 : memref<2x200x64xf32, #tpu.memory_space<vmem>>) dst(%dma_wait3A_405 : memref<2x200x64xf32, #tpu.memory_space<hbm>>)
      } else {
      }
      %add3A_181 = arith.constant 2 : i32
      %add3A_182 = arith.addi %add3A_175, %add3A_181 : i32
      %mul3A_183 = arith.constant 400 : i32
      %mul3A_184 = arith.muli %add3A_182, %mul3A_183 : i32
      %add3A_185 = arith.constant 0 : i32
      %add3A_186 = arith.addi %mul3A_184, %add3A_185 : i32
      %dma_start3A_187 = arith.constant 3 : i32
      %dma_start3A_188 = arith.constant 0 : i32
      %dma_start3A_189 = arith.constant 0 : i32
      %dma_start3A_190 = arith.constant 0 : i32
      %dma_start3A_191 = tpu.memref_slice %arg6[%dma_start3A_187, %dma_start3A_188, %dma_start3A_189, %dma_start3A_190] : memref<4x2x200x64xf32, #tpu.memory_space<vmem>> -> memref<1x1x200x64xf32, #tpu.memory_space<vmem>>
      %dma_start3A_192 = tpu.memref_squeeze %dma_start3A_191 : memref<1x1x200x64xf32, #tpu.memory_space<vmem>> -> memref<200x64xf32, #tpu.memory_space<vmem>>
      %dma_start3A_193 = tpu.memref_slice %arg5[%add3A_186] : memref<25600xi32, #tpu.memory_space<vmem>> -> memref<200xi32, #tpu.memory_space<vmem>>
      %dma_start3A_194 = arith.constant 0 : i32
      %dma_start3A_195 = arith.constant 0 : i32
      %dma_start3A_196 = tpu.memref_slice %arg3[%dma_start3A_194, %dma_start3A_195] : memref<1000000x64xf32, #tpu.memory_space<hbm>> -> memref<1000000x64xf32, #tpu.memory_space<hbm>>
      tpu.enqueue_indirect_dma source(%dma_start3A_196 : memref<1000000x64xf32, #tpu.memory_space<hbm>>) target(%dma_start3A_192 : memref<200x64xf32, #tpu.memory_space<vmem>>) offsets(%dma_start3A_193 : memref<200xi32, #tpu.memory_space<vmem>>) semaphore(%arg10 : memref<!tpu.dma_semaphore, #tpu.memory_space<semaphore_mem>>)
      %mul3A_197 = arith.constant 400 : i32
      %mul3A_198 = arith.muli %add3A_182, %mul3A_197 : i32
      %add3A_199 = arith.constant 200 : i32
      %add3A_200 = arith.addi %mul3A_198, %add3A_199 : i32
      %dma_start3A_201 = arith.constant 3 : i32
      %dma_start3A_202 = arith.constant 1 : i32
      %dma_start3A_203 = arith.constant 0 : i32
      %dma_start3A_204 = arith.constant 0 : i32
      %dma_start3A_205 = tpu.memref_slice %arg6[%dma_start3A_201, %dma_start3A_202, %dma_start3A_203, %dma_start3A_204] : memref<4x2x200x64xf32, #tpu.memory_space<vmem>> -> memref<1x1x200x64xf32, #tpu.memory_space<vmem>>
      %dma_start3A_206 = tpu.memref_squeeze %dma_start3A_205 : memref<1x1x200x64xf32, #tpu.memory_space<vmem>> -> memref<200x64xf32, #tpu.memory_space<vmem>>
      %dma_start3A_207 = tpu.memref_slice %arg5[%add3A_200] : memref<25600xi32, #tpu.memory_space<vmem>> -> memref<200xi32, #tpu.memory_space<vmem>>
      %dma_start3A_208 = arith.constant 0 : i32
      %dma_start3A_209 = arith.constant 0 : i32
      %dma_start3A_210 = tpu.memref_slice %arg3[%dma_start3A_208, %dma_start3A_209] : memref<1000000x64xf32, #tpu.memory_space<hbm>> -> memref<1000000x64xf32, #tpu.memory_space<hbm>>
      tpu.enqueue_indirect_dma source(%dma_start3A_210 : memref<1000000x64xf32, #tpu.memory_space<hbm>>) target(%dma_start3A_206 : memref<200x64xf32, #tpu.memory_space<vmem>>) offsets(%dma_start3A_207 : memref<200xi32, #tpu.memory_space<vmem>>) semaphore(%arg10 : memref<!tpu.dma_semaphore, #tpu.memory_space<semaphore_mem>>)
      %dma_wait3A_211 = arith.constant 1 : i32
      %dma_wait3A_212 = arith.constant 0 : i32
      %dma_wait3A_213 = arith.constant 0 : i32
      %dma_wait3A_214 = arith.constant 0 : i32
      %dma_wait3A_215 = tpu.memref_slice %arg6[%dma_wait3A_211, %dma_wait3A_212, %dma_wait3A_213, %dma_wait3A_214] : memref<4x2x200x64xf32, #tpu.memory_space<vmem>> -> memref<1x1x200x64xf32, #tpu.memory_space<vmem>>
      %dma_wait3A_216 = tpu.memref_squeeze %dma_wait3A_215 : memref<1x1x200x64xf32, #tpu.memory_space<vmem>> -> memref<200x64xf32, #tpu.memory_space<vmem>>
      %dma_wait3A_217 = arith.constant 0 : i32
      %dma_wait3A_218 = tpu.memref_slice %arg5[%dma_wait3A_217] : memref<25600xi32, #tpu.memory_space<vmem>> -> memref<200xi32, #tpu.memory_space<vmem>>
      %dma_wait3A_219 = arith.constant 0 : i32
      %dma_wait3A_220 = arith.constant 0 : i32
      %dma_wait3A_221 = tpu.memref_slice %arg3[%dma_wait3A_219, %dma_wait3A_220] : memref<1000000x64xf32, #tpu.memory_space<hbm>> -> memref<1000000x64xf32, #tpu.memory_space<hbm>>
      tpu.wait_indirect_dma semaphore(%arg8 : memref<!tpu.dma_semaphore, #tpu.memory_space<semaphore_mem>>) src(%dma_wait3A_221 : memref<1000000x64xf32, #tpu.memory_space<hbm>>) dst(%dma_wait3A_216 : memref<200x64xf32, #tpu.memory_space<vmem>>)
      %dma_wait3A_222 = arith.constant 1 : i32
      %dma_wait3A_223 = arith.constant 1 : i32
      %dma_wait3A_224 = arith.constant 0 : i32
      %dma_wait3A_225 = arith.constant 0 : i32
      %dma_wait3A_226 = tpu.memref_slice %arg6[%dma_wait3A_222, %dma_wait3A_223, %dma_wait3A_224, %dma_wait3A_225] : memref<4x2x200x64xf32, #tpu.memory_space<vmem>> -> memref<1x1x200x64xf32, #tpu.memory_space<vmem>>
      %dma_wait3A_227 = tpu.memref_squeeze %dma_wait3A_226 : memref<1x1x200x64xf32, #tpu.memory_space<vmem>> -> memref<200x64xf32, #tpu.memory_space<vmem>>
      %dma_wait3A_228 = arith.constant 0 : i32
      %dma_wait3A_229 = tpu.memref_slice %arg5[%dma_wait3A_228] : memref<25600xi32, #tpu.memory_space<vmem>> -> memref<200xi32, #tpu.memory_space<vmem>>
      %dma_wait3A_230 = arith.constant 0 : i32
      %dma_wait3A_231 = arith.constant 0 : i32
      %dma_wait3A_232 = tpu.memref_slice %arg3[%dma_wait3A_230, %dma_wait3A_231] : memref<1000000x64xf32, #tpu.memory_space<hbm>> -> memref<1000000x64xf32, #tpu.memory_space<hbm>>
      tpu.wait_indirect_dma semaphore(%arg8 : memref<!tpu.dma_semaphore, #tpu.memory_space<semaphore_mem>>) src(%dma_wait3A_232 : memref<1000000x64xf32, #tpu.memory_space<hbm>>) dst(%dma_wait3A_227 : memref<200x64xf32, #tpu.memory_space<vmem>>)
      %mul3A_233 = arith.constant 2 : i32
      %mul3A_234 = arith.muli %add3A_175, %mul3A_233 : i32
      %add3A_235 = arith.addi %mul3A_4, %mul3A_234 : i32
      %dma_start3A_236 = arith.constant 1 : i32
      %dma_start3A_237 = arith.constant 0 : i32
      %dma_start3A_238 = arith.constant 0 : i32
      %dma_start3A_239 = arith.constant 0 : i32
      %dma_start3A_240 = tpu.memref_slice %arg6[%dma_start3A_236, %dma_start3A_237, %dma_start3A_238, %dma_start3A_239] : memref<4x2x200x64xf32, #tpu.memory_space<vmem>> -> memref<1x2x200x64xf32, #tpu.memory_space<vmem>>
      %dma_start3A_241 = tpu.memref_squeeze %dma_start3A_240 : memref<1x2x200x64xf32, #tpu.memory_space<vmem>> -> memref<2x200x64xf32, #tpu.memory_space<vmem>>
      %dma_start3A_242 = arith.constant 0 : i32
      %dma_start3A_243 = arith.constant 0 : i32
      %dma_start3A_244 = tpu.memref_slice %arg4[%add3A_235, %dma_start3A_242, %dma_start3A_243] : memref<4096x200x64xf32, #tpu.memory_space<hbm>> -> memref<2x200x64xf32, #tpu.memory_space<hbm>>
      %dma_start3A_245 = arith.constant 0 : i32
      %dma_start3A_246 = arith.constant 0 : i32
      %dma_start3A_247 = tpu.memref_slice %arg4[%add3A_235, %dma_start3A_245, %dma_start3A_246] : memref<4096x200x64xf32, #tpu.memory_space<hbm>> -> memref<2x200x64xf32, #tpu.memory_space<hbm>>
      %dma_start3A_248 = arith.constant 0 : i32
      %dma_start3A_249 = arith.constant 0 : i32
      %dma_start3A_250 = arith.constant 0 : i32
      %dma_start3A_251 = tpu.memref_slice %arg6[%dma_start3A_236, %dma_start3A_248, %dma_start3A_249, %dma_start3A_250] : memref<4x2x200x64xf32, #tpu.memory_space<vmem>> -> memref<1x2x200x64xf32, #tpu.memory_space<vmem>>
      %dma_start3A_252 = tpu.memref_squeeze %dma_start3A_251 : memref<1x2x200x64xf32, #tpu.memory_space<vmem>> -> memref<2x200x64xf32, #tpu.memory_space<vmem>>
      tpu.enqueue_dma source(%dma_start3A_252 : memref<2x200x64xf32, #tpu.memory_space<vmem>>) target(%dma_start3A_247 : memref<2x200x64xf32, #tpu.memory_space<hbm>>) target_semaphore(%arg12 : memref<!tpu.dma_semaphore, #tpu.memory_space<semaphore_mem>>)
      %mul3A_253 = arith.constant 4 : i32
      %mul3A_254 = arith.muli %add3A_93, %mul3A_253 : i32
      %add3A_255 = arith.constant 2 : i32
      %add3A_256 = arith.addi %mul3A_254, %add3A_255 : i32
      %dma_wait3A_257 = arith.constant 0 : i32
      %dma_wait3A_258 = arith.constant 0 : i32
      %dma_wait3A_259 = arith.constant 0 : i32
      %dma_wait3A_260 = arith.constant 0 : i32
      %dma_wait3A_261 = tpu.memref_slice %arg6[%dma_wait3A_257, %dma_wait3A_258, %dma_wait3A_259, %dma_wait3A_260] : memref<4x2x200x64xf32, #tpu.memory_space<vmem>> -> memref<1x2x200x64xf32, #tpu.memory_space<vmem>>
      %dma_wait3A_262 = tpu.memref_squeeze %dma_wait3A_261 : memref<1x2x200x64xf32, #tpu.memory_space<vmem>> -> memref<2x200x64xf32, #tpu.memory_space<vmem>>
      %dma_wait3A_263 = arith.constant 0 : i32
      %dma_wait3A_264 = arith.constant 0 : i32
      %dma_wait3A_265 = arith.constant 0 : i32
      %dma_wait3A_266 = tpu.memref_slice %arg4[%dma_wait3A_263, %dma_wait3A_264, %dma_wait3A_265] : memref<4096x200x64xf32, #tpu.memory_space<hbm>> -> memref<2x200x64xf32, #tpu.memory_space<hbm>>
      %dma_wait3A_267 = arith.constant 0 : i32
      %dma_wait3A_268 = arith.constant 0 : i32
      %dma_wait3A_269 = arith.constant 0 : i32
      %dma_wait3A_270 = tpu.memref_slice %arg4[%dma_wait3A_267, %dma_wait3A_268, %dma_wait3A_269] : memref<4096x200x64xf32, #tpu.memory_space<hbm>> -> memref<2x200x64xf32, #tpu.memory_space<hbm>>
      %dma_wait3A_271 = arith.constant 0 : i32
      %dma_wait3A_272 = arith.constant 0 : i32
      %dma_wait3A_273 = arith.constant 0 : i32
      %dma_wait3A_274 = tpu.memref_slice %arg6[%dma_wait3A_257, %dma_wait3A_271, %dma_wait3A_272, %dma_wait3A_273] : memref<4x2x200x64xf32, #tpu.memory_space<vmem>> -> memref<1x2x200x64xf32, #tpu.memory_space<vmem>>
      %dma_wait3A_275 = tpu.memref_squeeze %dma_wait3A_274 : memref<1x2x200x64xf32, #tpu.memory_space<vmem>> -> memref<2x200x64xf32, #tpu.memory_space<vmem>>
      tpu.wait_dma2 semaphore(%arg11 : memref<!tpu.dma_semaphore, #tpu.memory_space<semaphore_mem>>) src(%dma_wait3A_275 : memref<2x200x64xf32, #tpu.memory_space<vmem>>) dst(%dma_wait3A_270 : memref<2x200x64xf32, #tpu.memory_space<hbm>>)
      %lt3A = arith.constant 15 : i32
      %lt3A_276 = arith.cmpi slt, %add3A_93, %lt3A : i32
      %convert_element_type3A_277 = arith.extui %lt3A_276 : i1 to i32
      %cond3A_278 = arith.constant 0 : i32
      %cond3A_279 = arith.cmpi ne, %convert_element_type3A_277, %cond3A_278 : i32
      scf.if %cond3A_279 {
        %add3A_392 = arith.constant 2 : i32
        %add3A_393 = arith.addi %add3A_256, %add3A_392 : i32
        %mul3A_394 = arith.constant 400 : i32
        %mul3A_395 = arith.muli %add3A_393, %mul3A_394 : i32
        %add3A_396 = arith.constant 0 : i32
        %add3A_397 = arith.addi %mul3A_395, %add3A_396 : i32
        %dma_start3A_398 = arith.constant 0 : i32
        %dma_start3A_399 = arith.constant 0 : i32
        %dma_start3A_400 = arith.constant 0 : i32
        %dma_start3A_401 = arith.constant 0 : i32
        %dma_start3A_402 = tpu.memref_slice %arg6[%dma_start3A_398, %dma_start3A_399, %dma_start3A_400, %dma_start3A_401] : memref<4x2x200x64xf32, #tpu.memory_space<vmem>> -> memref<1x1x200x64xf32, #tpu.memory_space<vmem>>
        %dma_start3A_403 = tpu.memref_squeeze %dma_start3A_402 : memref<1x1x200x64xf32, #tpu.memory_space<vmem>> -> memref<200x64xf32, #tpu.memory_space<vmem>>
        %dma_start3A_404 = tpu.memref_slice %arg5[%add3A_397] : memref<25600xi32, #tpu.memory_space<vmem>> -> memref<200xi32, #tpu.memory_space<vmem>>
        %dma_start3A_405 = arith.constant 0 : i32
        %dma_start3A_406 = arith.constant 0 : i32
        %dma_start3A_407 = tpu.memref_slice %arg3[%dma_start3A_405, %dma_start3A_406] : memref<1000000x64xf32, #tpu.memory_space<hbm>> -> memref<1000000x64xf32, #tpu.memory_space<hbm>>
        tpu.enqueue_indirect_dma source(%dma_start3A_407 : memref<1000000x64xf32, #tpu.memory_space<hbm>>) target(%dma_start3A_403 : memref<200x64xf32, #tpu.memory_space<vmem>>) offsets(%dma_start3A_404 : memref<200xi32, #tpu.memory_space<vmem>>) semaphore(%arg7 : memref<!tpu.dma_semaphore, #tpu.memory_space<semaphore_mem>>)
        %mul3A_408 = arith.constant 400 : i32
        %mul3A_409 = arith.muli %add3A_393, %mul3A_408 : i32
        %add3A_410 = arith.constant 200 : i32
        %add3A_411 = arith.addi %mul3A_409, %add3A_410 : i32
        %dma_start3A_412 = arith.constant 0 : i32
        %dma_start3A_413 = arith.constant 1 : i32
        %dma_start3A_414 = arith.constant 0 : i32
        %dma_start3A_415 = arith.constant 0 : i32
        %dma_start3A_416 = tpu.memref_slice %arg6[%dma_start3A_412, %dma_start3A_413, %dma_start3A_414, %dma_start3A_415] : memref<4x2x200x64xf32, #tpu.memory_space<vmem>> -> memref<1x1x200x64xf32, #tpu.memory_space<vmem>>
        %dma_start3A_417 = tpu.memref_squeeze %dma_start3A_416 : memref<1x1x200x64xf32, #tpu.memory_space<vmem>> -> memref<200x64xf32, #tpu.memory_space<vmem>>
        %dma_start3A_418 = tpu.memref_slice %arg5[%add3A_411] : memref<25600xi32, #tpu.memory_space<vmem>> -> memref<200xi32, #tpu.memory_space<vmem>>
        %dma_start3A_419 = arith.constant 0 : i32
        %dma_start3A_420 = arith.constant 0 : i32
        %dma_start3A_421 = tpu.memref_slice %arg3[%dma_start3A_419, %dma_start3A_420] : memref<1000000x64xf32, #tpu.memory_space<hbm>> -> memref<1000000x64xf32, #tpu.memory_space<hbm>>
        tpu.enqueue_indirect_dma source(%dma_start3A_421 : memref<1000000x64xf32, #tpu.memory_space<hbm>>) target(%dma_start3A_417 : memref<200x64xf32, #tpu.memory_space<vmem>>) offsets(%dma_start3A_418 : memref<200xi32, #tpu.memory_space<vmem>>) semaphore(%arg7 : memref<!tpu.dma_semaphore, #tpu.memory_space<semaphore_mem>>)
      } else {
      }
      %dma_wait3A_280 = arith.constant 2 : i32
      %dma_wait3A_281 = arith.constant 0 : i32
      %dma_wait3A_282 = arith.constant 0 : i32
      %dma_wait3A_283 = arith.constant 0 : i32
      %dma_wait3A_284 = tpu.memref_slice %arg6[%dma_wait3A_280, %dma_wait3A_281, %dma_wait3A_282, %dma_wait3A_283] : memref<4x2x200x64xf32, #tpu.memory_space<vmem>> -> memref<1x1x200x64xf32, #tpu.memory_space<vmem>>
      %dma_wait3A_285 = tpu.memref_squeeze %dma_wait3A_284 : memref<1x1x200x64xf32, #tpu.memory_space<vmem>> -> memref<200x64xf32, #tpu.memory_space<vmem>>
      %dma_wait3A_286 = arith.constant 0 : i32
      %dma_wait3A_287 = tpu.memref_slice %arg5[%dma_wait3A_286] : memref<25600xi32, #tpu.memory_space<vmem>> -> memref<200xi32, #tpu.memory_space<vmem>>
      %dma_wait3A_288 = arith.constant 0 : i32
      %dma_wait3A_289 = arith.constant 0 : i32
      %dma_wait3A_290 = tpu.memref_slice %arg3[%dma_wait3A_288, %dma_wait3A_289] : memref<1000000x64xf32, #tpu.memory_space<hbm>> -> memref<1000000x64xf32, #tpu.memory_space<hbm>>
      tpu.wait_indirect_dma semaphore(%arg9 : memref<!tpu.dma_semaphore, #tpu.memory_space<semaphore_mem>>) src(%dma_wait3A_290 : memref<1000000x64xf32, #tpu.memory_space<hbm>>) dst(%dma_wait3A_285 : memref<200x64xf32, #tpu.memory_space<vmem>>)
      %dma_wait3A_291 = arith.constant 2 : i32
      %dma_wait3A_292 = arith.constant 1 : i32
      %dma_wait3A_293 = arith.constant 0 : i32
      %dma_wait3A_294 = arith.constant 0 : i32
      %dma_wait3A_295 = tpu.memref_slice %arg6[%dma_wait3A_291, %dma_wait3A_292, %dma_wait3A_293, %dma_wait3A_294] : memref<4x2x200x64xf32, #tpu.memory_space<vmem>> -> memref<1x1x200x64xf32, #tpu.memory_space<vmem>>
      %dma_wait3A_296 = tpu.memref_squeeze %dma_wait3A_295 : memref<1x1x200x64xf32, #tpu.memory_space<vmem>> -> memref<200x64xf32, #tpu.memory_space<vmem>>
      %dma_wait3A_297 = arith.constant 0 : i32
      %dma_wait3A_298 = tpu.memref_slice %arg5[%dma_wait3A_297] : memref<25600xi32, #tpu.memory_space<vmem>> -> memref<200xi32, #tpu.memory_space<vmem>>
      %dma_wait3A_299 = arith.constant 0 : i32
      %dma_wait3A_300 = arith.constant 0 : i32
      %dma_wait3A_301 = tpu.memref_slice %arg3[%dma_wait3A_299, %dma_wait3A_300] : memref<1000000x64xf32, #tpu.memory_space<hbm>> -> memref<1000000x64xf32, #tpu.memory_space<hbm>>
      tpu.wait_indirect_dma semaphore(%arg9 : memref<!tpu.dma_semaphore, #tpu.memory_space<semaphore_mem>>) src(%dma_wait3A_301 : memref<1000000x64xf32, #tpu.memory_space<hbm>>) dst(%dma_wait3A_296 : memref<200x64xf32, #tpu.memory_space<vmem>>)
      %mul3A_302 = arith.constant 2 : i32
      %mul3A_303 = arith.muli %add3A_256, %mul3A_302 : i32
      %add3A_304 = arith.addi %mul3A_4, %mul3A_303 : i32
      %dma_start3A_305 = arith.constant 2 : i32
      %dma_start3A_306 = arith.constant 0 : i32
      %dma_start3A_307 = arith.constant 0 : i32
      %dma_start3A_308 = arith.constant 0 : i32
      %dma_start3A_309 = tpu.memref_slice %arg6[%dma_start3A_305, %dma_start3A_306, %dma_start3A_307, %dma_start3A_308] : memref<4x2x200x64xf32, #tpu.memory_space<vmem>> -> memref<1x2x200x64xf32, #tpu.memory_space<vmem>>
      %dma_start3A_310 = tpu.memref_squeeze %dma_start3A_309 : memref<1x2x200x64xf32, #tpu.memory_space<vmem>> -> memref<2x200x64xf32, #tpu.memory_space<vmem>>
      %dma_start3A_311 = arith.constant 0 : i32
      %dma_start3A_312 = arith.constant 0 : i32
      %dma_start3A_313 = tpu.memref_slice %arg4[%add3A_304, %dma_start3A_311, %dma_start3A_312] : memref<4096x200x64xf32, #tpu.memory_space<hbm>> -> memref<2x200x64xf32, #tpu.memory_space<hbm>>
      %dma_start3A_314 = arith.constant 0 : i32
      %dma_start3A_315 = arith.constant 0 : i32
      %dma_start3A_316 = tpu.memref_slice %arg4[%add3A_304, %dma_start3A_314, %dma_start3A_315] : memref<4096x200x64xf32, #tpu.memory_space<hbm>> -> memref<2x200x64xf32, #tpu.memory_space<hbm>>
      %dma_start3A_317 = arith.constant 0 : i32
      %dma_start3A_318 = arith.constant 0 : i32
      %dma_start3A_319 = arith.constant 0 : i32
      %dma_start3A_320 = tpu.memref_slice %arg6[%dma_start3A_305, %dma_start3A_317, %dma_start3A_318, %dma_start3A_319] : memref<4x2x200x64xf32, #tpu.memory_space<vmem>> -> memref<1x2x200x64xf32, #tpu.memory_space<vmem>>
      %dma_start3A_321 = tpu.memref_squeeze %dma_start3A_320 : memref<1x2x200x64xf32, #tpu.memory_space<vmem>> -> memref<2x200x64xf32, #tpu.memory_space<vmem>>
      tpu.enqueue_dma source(%dma_start3A_321 : memref<2x200x64xf32, #tpu.memory_space<vmem>>) target(%dma_start3A_316 : memref<2x200x64xf32, #tpu.memory_space<hbm>>) target_semaphore(%arg13 : memref<!tpu.dma_semaphore, #tpu.memory_space<semaphore_mem>>)
      %mul3A_322 = arith.constant 4 : i32
      %mul3A_323 = arith.muli %add3A_93, %mul3A_322 : i32
      %add3A_324 = arith.constant 3 : i32
      %add3A_325 = arith.addi %mul3A_323, %add3A_324 : i32
      %dma_wait3A_326 = arith.constant 1 : i32
      %dma_wait3A_327 = arith.constant 0 : i32
      %dma_wait3A_328 = arith.constant 0 : i32
      %dma_wait3A_329 = arith.constant 0 : i32
      %dma_wait3A_330 = tpu.memref_slice %arg6[%dma_wait3A_326, %dma_wait3A_327, %dma_wait3A_328, %dma_wait3A_329] : memref<4x2x200x64xf32, #tpu.memory_space<vmem>> -> memref<1x2x200x64xf32, #tpu.memory_space<vmem>>
      %dma_wait3A_331 = tpu.memref_squeeze %dma_wait3A_330 : memref<1x2x200x64xf32, #tpu.memory_space<vmem>> -> memref<2x200x64xf32, #tpu.memory_space<vmem>>
      %dma_wait3A_332 = arith.constant 0 : i32
      %dma_wait3A_333 = arith.constant 0 : i32
      %dma_wait3A_334 = arith.constant 0 : i32
      %dma_wait3A_335 = tpu.memref_slice %arg4[%dma_wait3A_332, %dma_wait3A_333, %dma_wait3A_334] : memref<4096x200x64xf32, #tpu.memory_space<hbm>> -> memref<2x200x64xf32, #tpu.memory_space<hbm>>
      %dma_wait3A_336 = arith.constant 0 : i32
      %dma_wait3A_337 = arith.constant 0 : i32
      %dma_wait3A_338 = arith.constant 0 : i32
      %dma_wait3A_339 = tpu.memref_slice %arg4[%dma_wait3A_336, %dma_wait3A_337, %dma_wait3A_338] : memref<4096x200x64xf32, #tpu.memory_space<hbm>> -> memref<2x200x64xf32, #tpu.memory_space<hbm>>
      %dma_wait3A_340 = arith.constant 0 : i32
      %dma_wait3A_341 = arith.constant 0 : i32
      %dma_wait3A_342 = arith.constant 0 : i32
      %dma_wait3A_343 = tpu.memref_slice %arg6[%dma_wait3A_326, %dma_wait3A_340, %dma_wait3A_341, %dma_wait3A_342] : memref<4x2x200x64xf32, #tpu.memory_space<vmem>> -> memref<1x2x200x64xf32, #tpu.memory_space<vmem>>
      %dma_wait3A_344 = tpu.memref_squeeze %dma_wait3A_343 : memref<1x2x200x64xf32, #tpu.memory_space<vmem>> -> memref<2x200x64xf32, #tpu.memory_space<vmem>>
      tpu.wait_dma2 semaphore(%arg12 : memref<!tpu.dma_semaphore, #tpu.memory_space<semaphore_mem>>) src(%dma_wait3A_344 : memref<2x200x64xf32, #tpu.memory_space<vmem>>) dst(%dma_wait3A_339 : memref<2x200x64xf32, #tpu.memory_space<hbm>>)
      %lt3A_345 = arith.constant 15 : i32
      %lt3A_346 = arith.cmpi slt, %add3A_93, %lt3A_345 : i32
      %convert_element_type3A_347 = arith.extui %lt3A_346 : i1 to i32
      %cond3A_348 = arith.constant 0 : i32
      %cond3A_349 = arith.cmpi ne, %convert_element_type3A_347, %cond3A_348 : i32
      scf.if %cond3A_349 {
        %add3A_392 = arith.constant 2 : i32
        %add3A_393 = arith.addi %add3A_325, %add3A_392 : i32
        %mul3A_394 = arith.constant 400 : i32
        %mul3A_395 = arith.muli %add3A_393, %mul3A_394 : i32
        %add3A_396 = arith.constant 0 : i32
        %add3A_397 = arith.addi %mul3A_395, %add3A_396 : i32
        %dma_start3A_398 = arith.constant 1 : i32
        %dma_start3A_399 = arith.constant 0 : i32
        %dma_start3A_400 = arith.constant 0 : i32
        %dma_start3A_401 = arith.constant 0 : i32
        %dma_start3A_402 = tpu.memref_slice %arg6[%dma_start3A_398, %dma_start3A_399, %dma_start3A_400, %dma_start3A_401] : memref<4x2x200x64xf32, #tpu.memory_space<vmem>> -> memref<1x1x200x64xf32, #tpu.memory_space<vmem>>
        %dma_start3A_403 = tpu.memref_squeeze %dma_start3A_402 : memref<1x1x200x64xf32, #tpu.memory_space<vmem>> -> memref<200x64xf32, #tpu.memory_space<vmem>>
        %dma_start3A_404 = tpu.memref_slice %arg5[%add3A_397] : memref<25600xi32, #tpu.memory_space<vmem>> -> memref<200xi32, #tpu.memory_space<vmem>>
        %dma_start3A_405 = arith.constant 0 : i32
        %dma_start3A_406 = arith.constant 0 : i32
        %dma_start3A_407 = tpu.memref_slice %arg3[%dma_start3A_405, %dma_start3A_406] : memref<1000000x64xf32, #tpu.memory_space<hbm>> -> memref<1000000x64xf32, #tpu.memory_space<hbm>>
        tpu.enqueue_indirect_dma source(%dma_start3A_407 : memref<1000000x64xf32, #tpu.memory_space<hbm>>) target(%dma_start3A_403 : memref<200x64xf32, #tpu.memory_space<vmem>>) offsets(%dma_start3A_404 : memref<200xi32, #tpu.memory_space<vmem>>) semaphore(%arg8 : memref<!tpu.dma_semaphore, #tpu.memory_space<semaphore_mem>>)
        %mul3A_408 = arith.constant 400 : i32
        %mul3A_409 = arith.muli %add3A_393, %mul3A_408 : i32
        %add3A_410 = arith.constant 200 : i32
        %add3A_411 = arith.addi %mul3A_409, %add3A_410 : i32
        %dma_start3A_412 = arith.constant 1 : i32
        %dma_start3A_413 = arith.constant 1 : i32
        %dma_start3A_414 = arith.constant 0 : i32
        %dma_start3A_415 = arith.constant 0 : i32
        %dma_start3A_416 = tpu.memref_slice %arg6[%dma_start3A_412, %dma_start3A_413, %dma_start3A_414, %dma_start3A_415] : memref<4x2x200x64xf32, #tpu.memory_space<vmem>> -> memref<1x1x200x64xf32, #tpu.memory_space<vmem>>
        %dma_start3A_417 = tpu.memref_squeeze %dma_start3A_416 : memref<1x1x200x64xf32, #tpu.memory_space<vmem>> -> memref<200x64xf32, #tpu.memory_space<vmem>>
        %dma_start3A_418 = tpu.memref_slice %arg5[%add3A_411] : memref<25600xi32, #tpu.memory_space<vmem>> -> memref<200xi32, #tpu.memory_space<vmem>>
        %dma_start3A_419 = arith.constant 0 : i32
        %dma_start3A_420 = arith.constant 0 : i32
        %dma_start3A_421 = tpu.memref_slice %arg3[%dma_start3A_419, %dma_start3A_420] : memref<1000000x64xf32, #tpu.memory_space<hbm>> -> memref<1000000x64xf32, #tpu.memory_space<hbm>>
        tpu.enqueue_indirect_dma source(%dma_start3A_421 : memref<1000000x64xf32, #tpu.memory_space<hbm>>) target(%dma_start3A_417 : memref<200x64xf32, #tpu.memory_space<vmem>>) offsets(%dma_start3A_418 : memref<200xi32, #tpu.memory_space<vmem>>) semaphore(%arg8 : memref<!tpu.dma_semaphore, #tpu.memory_space<semaphore_mem>>)
      } else {
      }
      %dma_wait3A_350 = arith.constant 3 : i32
      %dma_wait3A_351 = arith.constant 0 : i32
      %dma_wait3A_352 = arith.constant 0 : i32
      %dma_wait3A_353 = arith.constant 0 : i32
      %dma_wait3A_354 = tpu.memref_slice %arg6[%dma_wait3A_350, %dma_wait3A_351, %dma_wait3A_352, %dma_wait3A_353] : memref<4x2x200x64xf32, #tpu.memory_space<vmem>> -> memref<1x1x200x64xf32, #tpu.memory_space<vmem>>
      %dma_wait3A_355 = tpu.memref_squeeze %dma_wait3A_354 : memref<1x1x200x64xf32, #tpu.memory_space<vmem>> -> memref<200x64xf32, #tpu.memory_space<vmem>>
      %dma_wait3A_356 = arith.constant 0 : i32
      %dma_wait3A_357 = tpu.memref_slice %arg5[%dma_wait3A_356] : memref<25600xi32, #tpu.memory_space<vmem>> -> memref<200xi32, #tpu.memory_space<vmem>>
      %dma_wait3A_358 = arith.constant 0 : i32
      %dma_wait3A_359 = arith.constant 0 : i32
      %dma_wait3A_360 = tpu.memref_slice %arg3[%dma_wait3A_358, %dma_wait3A_359] : memref<1000000x64xf32, #tpu.memory_space<hbm>> -> memref<1000000x64xf32, #tpu.memory_space<hbm>>
      tpu.wait_indirect_dma semaphore(%arg10 : memref<!tpu.dma_semaphore, #tpu.memory_space<semaphore_mem>>) src(%dma_wait3A_360 : memref<1000000x64xf32, #tpu.memory_space<hbm>>) dst(%dma_wait3A_355 : memref<200x64xf32, #tpu.memory_space<vmem>>)
      %dma_wait3A_361 = arith.constant 3 : i32
      %dma_wait3A_362 = arith.constant 1 : i32
      %dma_wait3A_363 = arith.constant 0 : i32
      %dma_wait3A_364 = arith.constant 0 : i32
      %dma_wait3A_365 = tpu.memref_slice %arg6[%dma_wait3A_361, %dma_wait3A_362, %dma_wait3A_363, %dma_wait3A_364] : memref<4x2x200x64xf32, #tpu.memory_space<vmem>> -> memref<1x1x200x64xf32, #tpu.memory_space<vmem>>
      %dma_wait3A_366 = tpu.memref_squeeze %dma_wait3A_365 : memref<1x1x200x64xf32, #tpu.memory_space<vmem>> -> memref<200x64xf32, #tpu.memory_space<vmem>>
      %dma_wait3A_367 = arith.constant 0 : i32
      %dma_wait3A_368 = tpu.memref_slice %arg5[%dma_wait3A_367] : memref<25600xi32, #tpu.memory_space<vmem>> -> memref<200xi32, #tpu.memory_space<vmem>>
      %dma_wait3A_369 = arith.constant 0 : i32
      %dma_wait3A_370 = arith.constant 0 : i32
      %dma_wait3A_371 = tpu.memref_slice %arg3[%dma_wait3A_369, %dma_wait3A_370] : memref<1000000x64xf32, #tpu.memory_space<hbm>> -> memref<1000000x64xf32, #tpu.memory_space<hbm>>
      tpu.wait_indirect_dma semaphore(%arg10 : memref<!tpu.dma_semaphore, #tpu.memory_space<semaphore_mem>>) src(%dma_wait3A_371 : memref<1000000x64xf32, #tpu.memory_space<hbm>>) dst(%dma_wait3A_366 : memref<200x64xf32, #tpu.memory_space<vmem>>)
      %mul3A_372 = arith.constant 2 : i32
      %mul3A_373 = arith.muli %add3A_325, %mul3A_372 : i32
      %add3A_374 = arith.addi %mul3A_4, %mul3A_373 : i32
      %dma_start3A_375 = arith.constant 3 : i32
      %dma_start3A_376 = arith.constant 0 : i32
      %dma_start3A_377 = arith.constant 0 : i32
      %dma_start3A_378 = arith.constant 0 : i32
      %dma_start3A_379 = tpu.memref_slice %arg6[%dma_start3A_375, %dma_start3A_376, %dma_start3A_377, %dma_start3A_378] : memref<4x2x200x64xf32, #tpu.memory_space<vmem>> -> memref<1x2x200x64xf32, #tpu.memory_space<vmem>>
      %dma_start3A_380 = tpu.memref_squeeze %dma_start3A_379 : memref<1x2x200x64xf32, #tpu.memory_space<vmem>> -> memref<2x200x64xf32, #tpu.memory_space<vmem>>
      %dma_start3A_381 = arith.constant 0 : i32
      %dma_start3A_382 = arith.constant 0 : i32
      %dma_start3A_383 = tpu.memref_slice %arg4[%add3A_374, %dma_start3A_381, %dma_start3A_382] : memref<4096x200x64xf32, #tpu.memory_space<hbm>> -> memref<2x200x64xf32, #tpu.memory_space<hbm>>
      %dma_start3A_384 = arith.constant 0 : i32
      %dma_start3A_385 = arith.constant 0 : i32
      %dma_start3A_386 = tpu.memref_slice %arg4[%add3A_374, %dma_start3A_384, %dma_start3A_385] : memref<4096x200x64xf32, #tpu.memory_space<hbm>> -> memref<2x200x64xf32, #tpu.memory_space<hbm>>
      %dma_start3A_387 = arith.constant 0 : i32
      %dma_start3A_388 = arith.constant 0 : i32
      %dma_start3A_389 = arith.constant 0 : i32
      %dma_start3A_390 = tpu.memref_slice %arg6[%dma_start3A_375, %dma_start3A_387, %dma_start3A_388, %dma_start3A_389] : memref<4x2x200x64xf32, #tpu.memory_space<vmem>> -> memref<1x2x200x64xf32, #tpu.memory_space<vmem>>
      %dma_start3A_391 = tpu.memref_squeeze %dma_start3A_390 : memref<1x2x200x64xf32, #tpu.memory_space<vmem>> -> memref<2x200x64xf32, #tpu.memory_space<vmem>>
      tpu.enqueue_dma source(%dma_start3A_391 : memref<2x200x64xf32, #tpu.memory_space<vmem>>) target(%dma_start3A_386 : memref<2x200x64xf32, #tpu.memory_space<hbm>>) target_semaphore(%arg14 : memref<!tpu.dma_semaphore, #tpu.memory_space<semaphore_mem>>)
    }
    %scan3A_51 = arith.constant 16 : i32
    %dma_wait3A = arith.constant 2 : i32
    %dma_wait3A_52 = arith.constant 0 : i32
    %dma_wait3A_53 = arith.constant 0 : i32
    %dma_wait3A_54 = arith.constant 0 : i32
    %dma_wait3A_55 = tpu.memref_slice %arg6[%dma_wait3A, %dma_wait3A_52, %dma_wait3A_53, %dma_wait3A_54] : memref<4x2x200x64xf32, #tpu.memory_space<vmem>> -> memref<1x2x200x64xf32, #tpu.memory_space<vmem>>
    %dma_wait3A_56 = tpu.memref_squeeze %dma_wait3A_55 : memref<1x2x200x64xf32, #tpu.memory_space<vmem>> -> memref<2x200x64xf32, #tpu.memory_space<vmem>>
    %dma_wait3A_57 = arith.constant 0 : i32
    %dma_wait3A_58 = arith.constant 0 : i32
    %dma_wait3A_59 = arith.constant 0 : i32
    %dma_wait3A_60 = tpu.memref_slice %arg4[%dma_wait3A_57, %dma_wait3A_58, %dma_wait3A_59] : memref<4096x200x64xf32, #tpu.memory_space<hbm>> -> memref<2x200x64xf32, #tpu.memory_space<hbm>>
    %dma_wait3A_61 = arith.constant 0 : i32
    %dma_wait3A_62 = arith.constant 0 : i32
    %dma_wait3A_63 = arith.constant 0 : i32
    %dma_wait3A_64 = tpu.memref_slice %arg4[%dma_wait3A_61, %dma_wait3A_62, %dma_wait3A_63] : memref<4096x200x64xf32, #tpu.memory_space<hbm>> -> memref<2x200x64xf32, #tpu.memory_space<hbm>>
    %dma_wait3A_65 = arith.constant 0 : i32
    %dma_wait3A_66 = arith.constant 0 : i32
    %dma_wait3A_67 = arith.constant 0 : i32
    %dma_wait3A_68 = tpu.memref_slice %arg6[%dma_wait3A, %dma_wait3A_65, %dma_wait3A_66, %dma_wait3A_67] : memref<4x2x200x64xf32, #tpu.memory_space<vmem>> -> memref<1x2x200x64xf32, #tpu.memory_space<vmem>>
    %dma_wait3A_69 = tpu.memref_squeeze %dma_wait3A_68 : memref<1x2x200x64xf32, #tpu.memory_space<vmem>> -> memref<2x200x64xf32, #tpu.memory_space<vmem>>
    tpu.wait_dma2 semaphore(%arg13 : memref<!tpu.dma_semaphore, #tpu.memory_space<semaphore_mem>>) src(%dma_wait3A_69 : memref<2x200x64xf32, #tpu.memory_space<vmem>>) dst(%dma_wait3A_64 : memref<2x200x64xf32, #tpu.memory_space<hbm>>)
    %dma_wait3A_70 = arith.constant 3 : i32
    %dma_wait3A_71 = arith.constant 0 : i32
    %dma_wait3A_72 = arith.constant 0 : i32
    %dma_wait3A_73 = arith.constant 0 : i32
    %dma_wait3A_74 = tpu.memref_slice %arg6[%dma_wait3A_70, %dma_wait3A_71, %dma_wait3A_72, %dma_wait3A_73] : memref<4x2x200x64xf32, #tpu.memory_space<vmem>> -> memref<1x2x200x64xf32, #tpu.memory_space<vmem>>
    %dma_wait3A_75 = tpu.memref_squeeze %dma_wait3A_74 : memref<1x2x200x64xf32, #tpu.memory_space<vmem>> -> memref<2x200x64xf32, #tpu.memory_space<vmem>>
    %dma_wait3A_76 = arith.constant 0 : i32
    %dma_wait3A_77 = arith.constant 0 : i32
    %dma_wait3A_78 = arith.constant 0 : i32
    %dma_wait3A_79 = tpu.memref_slice %arg4[%dma_wait3A_76, %dma_wait3A_77, %dma_wait3A_78] : memref<4096x200x64xf32, #tpu.memory_space<hbm>> -> memref<2x200x64xf32, #tpu.memory_space<hbm>>
    %dma_wait3A_80 = arith.constant 0 : i32
    %dma_wait3A_81 = arith.constant 0 : i32
    %dma_wait3A_82 = arith.constant 0 : i32
    %dma_wait3A_83 = tpu.memref_slice %arg4[%dma_wait3A_80, %dma_wait3A_81, %dma_wait3A_82] : memref<4096x200x64xf32, #tpu.memory_space<hbm>> -> memref<2x200x64xf32, #tpu.memory_space<hbm>>
    %dma_wait3A_84 = arith.constant 0 : i32
    %dma_wait3A_85 = arith.constant 0 : i32
    %dma_wait3A_86 = arith.constant 0 : i32
    %dma_wait3A_87 = tpu.memref_slice %arg6[%dma_wait3A_70, %dma_wait3A_84, %dma_wait3A_85, %dma_wait3A_86] : memref<4x2x200x64xf32, #tpu.memory_space<vmem>> -> memref<1x2x200x64xf32, #tpu.memory_space<vmem>>
    %dma_wait3A_88 = tpu.memref_squeeze %dma_wait3A_87 : memref<1x2x200x64xf32, #tpu.memory_space<vmem>> -> memref<2x200x64xf32, #tpu.memory_space<vmem>>
    tpu.wait_dma2 semaphore(%arg14 : memref<!tpu.dma_semaphore, #tpu.memory_space<semaphore_mem>>) src(%dma_wait3A_88 : memref<2x200x64xf32, #tpu.memory_space<vmem>>) dst(%dma_wait3A_83 : memref<2x200x64xf32, #tpu.memory_space<hbm>>)
    return
  }
}

</mosaic_0001>

<sc_bundles>
// kernel: _sc_gather.3.cloned.1.call-start
scs
__scs_entry_jumppad:
0x0: {  	(pc) =	sbr.rel $0x88, $3  }
0x1: {  	(tag) =	ssettag $0x0;
	lr =	simm.s32 $0x1  }
0x2: {  	[smem:$0x3F9F] =	sst lr;
	_ =	strace $0xD0000000  }
0x3: {  	_ = 	snop  }
0x4: {  	_ = 	snop  }
0x5: {  	_ = 	snop  }
0x6: {  	_ = 	snop  }
0x7: {  	_ = 	snop  }
__scs_overlays_trampoline_lowered:
0x8: {  	[smem:$0x3FAE] =	sst s0  }
0x9: {  	[smem:$0x3FAF] =	sst s1  }
0xa: {  	[smem:$0x3FB0] =	sst s2  }
0xb: {  	[smem:$0x3FB1] =	sst s3  }
0xc: {  	[smem:$0x3FB2] =	sst s4  }
0xd: {  	[smem:$0x3FB3] =	sst s5  }
0xe: {  	[smem:$0x3FB4] =	sst s6  }
0xf: {  	[smem:$0x3FB5] =	sst s7  }
0x10: {  	[smem:$0x3FB6] =	sst s8  }
0x11: {  	[smem:$0x3FB7] =	sst s9;
	s0 =	simm.s32 @!p0 $0x0  }
0x12: {  	s1 =	sld [smem:$0x3F9D];
	s0 =	simm.s32 @p0 $0x1  }
0x13: {  	[smem:$0x3FB8] =	sst s0;
	s0 =	simm.s32 @!p1 $0x0  }
0x14: {  	s2 =	sld [smem:$0x3F9C];
	s0 =	simm.s32 @p1 $0x1  }
0x15: {  	[smem:$0x3FB9] =	sst s0;
	s0 =	simm.s32 @!p2 $0x0  }
0x16: {  	s3 =	sld [smem:$0x3FDB];
	s0 =	simm.s32 @p2 $0x1  }
0x17: {  	s4 =	simm.s32 $0x1BF5;
	[smem:$0x3FBB] =	sst s0  }
0x18: {  	s0 =	sld [smem:$0x3F9E];
	_ =	swait.ge [sflag:s4], $0x0  }
0x19: {  	s7 =	sld [smem:$0x3F9F]  }
0x1a: {  	s8 =	sadd.s32 $0xFFFFE003, lr  }
0x1b: {  	s9 =	sadd.s32 $0xFFFFFEF7, lr;
	s5 =	simm.s32 $0xFFFFFFFF;
	p2 =	slt.u32 s8, $0xFFFFF086  }
0x1c: {  	p1 =	slt.u32 s9, $0xF7A;
	s5 =	simm.s32 @!p2 $0x0  }
0x1d: {  	s5 =	simm.s32 @p1 $0x1;
	p0 =	seq.s32 s7, s2  }
0x1e: {  	s7 =	smul.u32 @!p0 $0xF7A, s2;
	p2 =	seq.s32 @!p0 s5, $0x0  }
0x1f: {  	s9 =	smul.u32 $0xF7A, s1;
	s8 =	simm.s32 @!p0 $0x1BF5;
	p2 =	por !p2, p0  }
0x20: {  	[sflag:s8] =	ssyncset.s32 @!p0 $0xFFFFF086;
	s6 =	sadd.s32 @!p0 s3, s7;
	s7 =	simm.s32 @!p0 $0x108  }
0x21: {  	s3 =	sadd.s32 s3, s9;
	s6 =	sadd.s32 @!p0 $0x88, s6;
	s7 =	simm.s32 @p2 $0x1082  }
0x22: {  	[simem:s7], [sflag:s8] =	dma.local @!p0 [hbm:s6], $0xF7A  }
0x23: {  	s9 =	sor.u32 $0xD0000000, s2;
	s6 =	simm.s32 $0x108;
	_ =	swait.ge @!p0 [sflag:s8], $0x0  }
0x24: {  	s3 =	sadd.s32 $0x88, s3;
	s6 =	simm.s32 @!p1 $0x1082;
	[sflag:s4] =	ssyncset.s32 $0xFFFFF086  }
0x25: {  	[simem:s6], [sflag:s4] =	dma.local [hbm:s3], $0xF7A  }
0x26: {  	[smem:$0x3F9F] =	sst s1;
	(tag) =	ssettag s2;
	_ =	strace s9  }
0x27: {  	s1 =	sld [smem:$0x3FAF]  }
0x28: {  	s2 =	sld [smem:$0x3FB0]  }
0x29: {  	s4 =	sld [smem:$0x3FB2]  }
0x2a: {  	p0 =	seq.s32 s5, $0x0;
	s5 =	sld [smem:$0x3FB3]  }
0x2b: {  	s6 =	sld [smem:$0x3FB4]  }
0x2c: {  	s7 =	sld [smem:$0x3FB5]  }
0x2d: {  	s3 =	simm.s32 $0x108;
	s8 =	sld [smem:$0x3FB6]  }
0x2e: {  	s3 =	simm.s32 @!p0 $0x1082;
	s9 =	sld [smem:$0x3FB7]  }
0x2f: {  	lr =	sadd.s32 s0, s3;
	s0 =	sld [smem:$0x3FAE]  }
0x30: {  	s3 =	sld [smem:$0x3FB1]  }
0x31: {  	[smem:$0x3FBA] =	sst s10  }
0x32: {  	s10 =	sld [smem:$0x3FB8];
	_ =	sdelay $0x3  }
0x33: {  	p0 =	seq.s32 s10, $0x1;
	s10 =	sld [smem:$0x3FBA];
	_ =	sdelay $0x3  }
0x34: {  	[smem:$0x3FBA] =	sst s10  }
0x35: {  	s10 =	sld [smem:$0x3FB9];
	_ =	sdelay $0x3  }
0x36: {  	p1 =	seq.s32 s10, $0x1;
	s10 =	sld [smem:$0x3FBA];
	_ =	sdelay $0x3  }
0x37: {  	[smem:$0x3FBA] =	sst s10  }
0x38: {  	s10 =	sld [smem:$0x3FBB]  }
0x39: {  	_ = 	snop;
	(pc) =	sbr.ind lr, $3  }
0x3a: {  	_ = 	snop  }
0x3b: {  	_ = 	snop  }
0x3c: {  	p2 =	seq.s32 s10, $0x1;
	s10 =	sld [smem:$0x3FBA]  }
0x3d: {  	_ =	shalt  }
0x3e: {  	_ =	shalt  }
0x3f: {  	_ =	shalt  }
0x40: {  	_ =	shalt  }
0x41: {  	_ =	shalt  }
0x42: {  	_ =	shalt  }
0x43: {  	_ =	shalt  }
0x44: {  	_ =	shalt  }
0x45: {  	_ =	shalt  }
0x46: {  	_ =	shalt  }
0x47: {  	_ =	shalt  }
0x48: {  	_ =	shalt  }
0x49: {  	_ =	shalt  }
0x4a: {  	_ =	shalt  }
0x4b: {  	_ =	shalt  }
0x4c: {  	_ =	shalt  }
0x4d: {  	_ =	shalt  }
0x4e: {  	_ =	shalt  }
0x4f: {  	_ =	shalt  }
0x50: {  	_ =	shalt  }
0x51: {  	_ =	shalt  }
0x52: {  	_ =	shalt  }
0x53: {  	_ =	shalt  }
0x54: {  	_ =	shalt  }
0x55: {  	_ =	shalt  }
0x56: {  	_ =	shalt  }
0x57: {  	_ =	shalt  }
0x58: {  	_ =	shalt  }
0x59: {  	_ =	shalt  }
0x5a: {  	_ =	shalt  }
0x5b: {  	_ =	shalt  }
0x5c: {  	_ =	shalt  }
0x5d: {  	_ =	shalt  }
0x5e: {  	_ =	shalt  }
0x5f: {  	_ =	shalt  }
0x60: {  	_ =	shalt  }
0x61: {  	_ =	shalt  }
0x62: {  	_ =	shalt  }
0x63: {  	_ =	shalt  }
0x64: {  	_ =	shalt  }
0x65: {  	_ =	shalt  }
0x66: {  	_ =	shalt  }
0x67: {  	_ =	shalt  }
0x68: {  	_ =	shalt  }
0x69: {  	_ =	shalt  }
0x6a: {  	_ =	shalt  }
0x6b: {  	_ =	shalt  }
0x6c: {  	_ =	shalt  }
0x6d: {  	_ =	shalt  }
0x6e: {  	_ =	shalt  }
0x6f: {  	_ =	shalt  }
0x70: {  	_ =	shalt  }
0x71: {  	_ =	shalt  }
0x72: {  	_ =	shalt  }
0x73: {  	_ =	shalt  }
0x74: {  	_ =	shalt  }
0x75: {  	_ =	shalt  }
0x76: {  	_ =	shalt  }
0x77: {  	_ =	shalt  }
0x78: {  	_ =	shalt  }
0x79: {  	_ =	shalt  }
0x7a: {  	_ =	shalt  }
0x7b: {  	_ =	shalt  }
0x7c: {  	_ =	shalt  }
0x7d: {  	_ =	shalt  }
0x7e: {  	_ =	shalt  }
0x7f: {  	_ =	shalt  }
0x80: {  	_ =	shalt  }
0x81: {  	_ =	shalt  }
0x82: {  	_ =	shalt  }
0x83: {  	_ =	shalt  }
0x84: {  	_ =	shalt  }
0x85: {  	_ =	shalt  }
0x86: {  	_ =	shalt  }
0x87: {  	_ =	shalt  }
.Lfunc_end0:
.L_simem_size_0:
called_computation.1_lowered:
.L_overlay_start_0:
0x88: {  	s2 =	sld [smem:$0x3FD9]  }
0x89: {  	s3 =	sld [smem:$0x3FFE];
	_ =	sdelay $0x1  }
0x8a: {  	s1 =	srdreg.scid  }
0x8b: {  	s0 =	sand.u32 $0x1, s1  }
0x8c: {  	s17 =	sshll.u32 s0, $0xA;
	s2 =	sadd.s32 s3, s2  }
0x8d: {  	s2 =	sadd.s32 s2, s17  }
0x8e: {  	[smem:$0x3FC6] =	sst s2  }
0x8f: {  	_ = 	snop  }
0x90: {  	s2 =	sld [smem:$0x3FC9]  }
0x91: {  	s18 =	sld [smem:$0x3FD0];
	(tm) =	ssettm $0x1  }
0x92: {  	s4 =	sld [smem:$0x3FFB];
	_ =	sdelay $0x3  }
0x93: {  	_ =	strace s4  }
0x94: {  	s4 =	sld [smem:$0x3FFC];
	_ =	sdelay $0x3  }
0x95: {  	_ =	strace s4  }
0x96: {  	s4 =	sld [smem:$0x3FFD];
	_ =	sdelay $0x3  }
0x97: {  	_ =	strace s4  }
0x98: {  	_ =	strace $0x8FFFFFFF  }
0x99: {  	s19 =	sld [smem:$0x3FDB];
	_ =	sdelay $0x1  }
0x9a: {  	s5 =	simm.s32 $_scs_section_size  }
0x9b: {  	s6 =	simm.s32 $_size__tile_overlayer_lowered;
	s7 =	simm.s32 $_tile_overlayer_lowered  }
0x9c: {  	s22 =	simm.s32 $0x1BFF;
	s21 =	sshll.u32 s7, $0x1;
	s4 =	sadd.s32 s5, s19  }
0x9d: {  	s8 =	simm.s32 $0x0;
	s20 =	sshll.u32 s6, $0x1;
	s6 =	sadd.s32 s21, s4  }
0x9e: {  	[timem:s8], [sflag:s22] =	dma.local [hbm:s6], s20  }
0x9f: {  	_ =	swait.ge [sflag:s22], s20  }
0xa0: {  	s5 =	ssub.s32 $0x0, s20;
	[sflag:s22] =	ssyncset.done $0x0  }
0xa1: {  	[sflag:s22] =	ssyncadd.s32 s5;
	_ =	sdelay $0x1  }
0xa2: {  	s23 =	simm.s32 $0x1B8B  }
0xa3: {  	_ =	swait.ge [sflag:s23], $0x1  }
0xa4: {  	[sflag:s23] =	ssyncset.done $0x0  }
0xa5: {  	s25 =	simm.s32 $0x1B8E;
	s24 =	sld [smem:$0x3FFE];
	[sflag:s23] =	ssyncadd.s32 $0xFFFFFFFF  }
0xa6: {  	s26 =	simm.s32 $execute0_lowered;
	[smem:$0x3FD2] =	sst s25  }
0xa7: {  	s6 =	sshll.u32 s26, $0x1;
	_ =	strace $0x80000046;
	[dreg:$0x1] =	wrdreg $0xFFFFFFFF  }
0xa8: {  	s28 =	simm.s32 $_size_execute0_lowered;
	s4 =	sadd.s32 s4, s6;
	[dreg:$0x0] =	wrdreg $0x0  }
0xa9: {  	s6 =	sshll.u32 s28, $0x1;
	[dreg:$0x2] =	wrdreg s4  }
0xaa: {  	[dreg:$0x3] =	wrdreg s6  }
0xab: {  	[dreg:$0x4] =	wrdreg $0xC0  }
0xac: {  	_ =	task [dreg:s8], $0x5FFFF  }
0xad: {  	[dreg:$0x1] =	wrdreg $0xFFFFFFFF  }
0xae: {  	[dreg:$0x0] =	wrdreg $0x60  }
0xaf: {  	[dreg:$0x2] =	wrdreg s2  }
0xb0: {  	[dreg:$0x3] =	wrdreg s24  }
0xb1: {  	[dreg:$0x4] =	wrdreg s18  }
0xb2: {  	[dreg:$0x5] =	wrdreg $0x9  }
0xb3: {  	_ =	task.clear_ibuf [dreg:s8], $0x6FFFF;
	_ =	strace $0x90000046  }
0xb4: {  	s29 =	simm.s32 $0x9;
	_ =	strace $0x80000048  }
0xb5: {  	_ =	swait.ge [sflag:s29], $0x1  }
0xb6: {  	[sflag:s29] =	ssyncadd.s32 $0xFFFFFFFF  }
0xb7: {  	_ =	strace $0x90000048  }
0xb8: {  	_ =	sfence  }
0xb9: {  	s30 =	sld [smem:$0x0];
	_ =	sdelay $0x2  }
0xba: {  	s31 =	sshll.u32 s1, $0xD;
	s1 =	sshrl.u32 s1, $0x2  }
0xbb: {  	s3 =	sand.u32 $0x4000, s31;
	s1 =	sadd.s32 s1, s30  }
0xbc: {  	s0 =	sor.u32 s3, s0;
	s1 =	sshll.u32 s1, $0x11  }
0xbd: {  	s0 =	sor.u32 s1, s0  }
0xbe: {  	s0 =	sadd.s32 $0x8F2B, s0  }
0xbf: {  	[sflag:s0] =	ssyncadd.remote.s32 $0x1  }
0xc0: {  	_ =	sfence.sel $0xFFFF  }
0xc1: {  	[dreg:$0x0] =	wrdreg $0xFFFFFFFF;
	(pc) =	sbr.abs _section_cstart, $3  }
0xc2: {  	[dreg:$0x1] =	wrdreg $0xFFFFFFFF  }
0xc3: {  	_ =	task.clear_ibuf [dreg:s8], $0x2FFFF;
	_ =	strace $0x9FFFFFFF  }
0xc4: {  	(tm) =	ssettm $0x7FFFFFFF  }
0xc5: {  	_ =	shalt  }
tec
execute0_lowered:
.L_overlay_start_1:
0x0: {  	(tag) =	ssettag $0x1  }
0x1: {  	s1 =	rddreg [dreg:$0x0]  }
0x2: {  	s3 =	rddreg [dreg:$0x1];
	s2 =	srdreg.scid  }
0x3: {  	s0 =	stileid.u32;
	s6 =	rddreg [dreg:$0x2];
	s12 =	simm.s32 $0xC800  }
0x4: {  	s30 =	simm.s32 $0x15E00;
	s14 =	simm.s32 $0xFA00;
	s15 =	simm.s32 $0x12C00  }
0x5: {  	s16 =	simm.s32 $0x1;
	s17 =	simm.s32 $0x19000;
	s31 =	simm.s32 $0x1C200  }
0x6: {  	s18 =	simm.s32 $0x2;
	s19 =	simm.s32 $0x5;
	s20 =	simm.s32 $0x3  }
0x7: {  	s21 =	simm.s32 $0x6;
	s22 =	simm.s32 $0x4;
	s23 =	simm.s32 $0x7  }
0x8: {  	s24 =	simm.s32 $0x8;
	s25 =	simm.s32 $0x0;
	s4 =	sand.u32 $0x1, s2  }
0x9: {  	s5 =	sshll.u32 s0, $0x1;
	s2 =	simm.s32 $0x0;
	s9 =	smul.u32 $0x64000, s0  }
0xa: {  	s3 =	sadd.s32 $0xF42C00, s3;
	s5 =	sor.u32 s4, s5;
	s28 =	smul.u32 $0x32000, s4  }
0xb: {  	[smem:$0x7FF] =	sst s2;
	s7 =	ssub.s32 $0x2, s4;
	s5 =	smul.u32 $0xC80, s5  }
0xc: {  	_ =	strace $0x80000047;
	s8 =	sshrl.u32 s7, $0x1;
	[dreg:$0x4] =	wrdreg s30  }
0xd: {  	s29 =	sadd.s32 s9, s6;
	s9 =	simm.s32 $0x6400;
	[dreg:$0x5] =	wrdreg s31  }
0xe: {  	s7 =	ssub.s32 s7, s8;
	s6 =	sadd.s32 s28, s29;
	s8 =	simm.s32 $0xC8  }
0xf: {  	s4 =	sadd.s32 s1, s5;
	s5 =	smax.u32 s7, $0x1;
	s7 =	simm.s32 $0x9  }
.LBB2_1:
0x10: {  	[tilespmem:s2], [sflag:$0x9] =	stream.linear.gather [hbm4b:s4+s2], $0x6400, $0x38;
	[tilespmem:$0x1F400] =	vst v63  }
0x11: {  	_ =	swait.ge [sflag:s7], $0x6400  }
0x12: {  	[sflag:s7] =	ssyncset.done $0x0  }
0x13: {  	[sflag:s7] =	ssyncadd.s32 $0xFFFF9C00  }
0x14: {  	[tilespmem:s9], [sflag:$0x1] =	stream.indirect.gather [hbm4b:s3+s8], $0x40, s2, s8, $0xb8;
	[tilespmem:$0x1F400] =	vst v63  }
0x15: {  	s0 =	simm.s32 $0x9600  }
0x16: {  	[tilespmem:s0], [sflag:$0x1] =	stream.indirect.gather [hbm4b:s3+s8], $0x40, s8, s8, $0xb8;
	[tilespmem:$0x1F400] =	vst v63  }
0x17: {  	s26 =	simm.s32 $0x190;
	p0 =	por $0x1, $0x1  }
0x18: {  	[tilespmem:s12], [sflag:$0x2] =	stream.indirect.gather [hbm4b:s3+s8], $0x40, s26, s8, $0xb8;
	[tilespmem:$0x1F400] =	vst v63  }
0x19: {  	s30 =	simm.s32 $0x258;
	s1 =	simm.s32 @!p0 $0x7  }
0x1a: {  	[tilespmem:s14], [sflag:$0x2] =	stream.indirect.gather [hbm4b:s3+s8], $0x40, s30, s8, $0xb8;
	[tilespmem:$0x1F400] =	vst v63  }
0x1b: {  	_ =	swait.ge @!p0 [sflag:s1], $0x6400  }
0x1c: {  	[sflag:s1] =	ssyncset.done @!p0 $0x0  }
0x1d: {  	s31 =	simm.s32 $0x320;
	[sflag:s1] =	ssyncadd.s32 @!p0 $0xFFFF9C00  }
0x1e: {  	[tilespmem:s15], [sflag:$0x3] =	stream.indirect.gather [hbm4b:s3+s8], $0x40, s31, s8, $0xb8;
	[tilespmem:$0x1F400] =	vst v63  }
0x1f: {  	s0 =	simm.s32 $0x3E8;
	s26 =	rddreg [dreg:$0x4]  }
0x20: {  	[tilespmem:s26], [sflag:$0x3] =	stream.indirect.gather [hbm4b:s3+s8], $0x40, s0, s8, $0xb8;
	[tilespmem:$0x1F400] =	vst v63  }
0x21: {  	_ =	swait.ge [sflag:s16], $0x3200  }
0x22: {  	[sflag:s16] =	ssyncset.done $0x0  }
0x23: {  	[sflag:s16] =	ssyncadd.s32 $0xFFFFCE00  }
0x24: {  	_ =	swait.ge [sflag:s16], $0x3200  }
0x25: {  	[sflag:s16] =	ssyncset.done $0x0  }
0x26: {  	s1 =	simm.s32 @!p0 $0x8;
	[sflag:s16] =	ssyncadd.s32 $0xFFFFCE00  }
0x27: {  	[hbm4b:s6+s2] =	stream.linear.scatter [tilespmem:s9], [sflag:$0x5], $0x6400, $0x38;
	[tilespmem:$0x1F400] =	vst v63  }
0x28: {  	_ =	swait.ge @!p0 [sflag:s1], $0x6400  }
0x29: {  	[sflag:s1] =	ssyncset.done @!p0 $0x0  }
0x2a: {  	s10 =	simm.s32 $0x4B0;
	[sflag:s1] =	ssyncadd.s32 @!p0 $0xFFFF9C00  }
0x2b: {  	[tilespmem:s17], [sflag:$0x4] =	stream.indirect.gather [hbm4b:s3+s8], $0x40, s10, s8, $0xb8;
	[tilespmem:$0x1F400] =	vst v63  }
0x2c: {  	s13 =	simm.s32 $0x578;
	s11 =	rddreg [dreg:$0x5]  }
0x2d: {  	[tilespmem:s11], [sflag:$0x4] =	stream.indirect.gather [hbm4b:s3+s8], $0x40, s13, s8, $0xb8;
	[tilespmem:$0x1F400] =	vst v63  }
0x2e: {  	_ =	swait.ge [sflag:s18], $0x3200  }
0x2f: {  	[sflag:s18] =	ssyncset.done $0x0  }
0x30: {  	[sflag:s18] =	ssyncadd.s32 $0xFFFFCE00  }
0x31: {  	_ =	swait.ge [sflag:s18], $0x3200  }
0x32: {  	[sflag:s18] =	ssyncset.done $0x0  }
0x33: {  	s30 =	sadd.s32 $0xC80, s6;
	[sflag:s18] =	ssyncadd.s32 $0xFFFFCE00  }
0x34: {  	[hbm4b:s30+s2] =	stream.linear.scatter [tilespmem:s12], [sflag:$0x6], $0x6400, $0x38;
	[tilespmem:$0x1F400] =	vst v63  }
0x35: {  	p0 =	por $0x0, $0x0;
	_ =	swait.ge [sflag:s19], $0x6400  }
0x36: {  	s1 =	simm.s32 @!p0 $0x6400;
	[sflag:s19] =	ssyncset.done $0x0  }
0x37: {  	s26 =	simm.s32 @!p0 $0x640;
	s28 =	simm.s32 @!p0 $0xC8;
	[sflag:s19] =	ssyncadd.s32 $0xFFFF9C00  }
0x38: {  	[tilespmem:s1], [sflag:$0x1] =	stream.indirect.gather @!p0 [hbm4b:s3+s28], $0x40, s26, s28, $0xb8;
	[tilespmem:$0x1F400] =	vst v63  }
0x39: {  	s1 =	simm.s32 @!p0 $0x708;
	s26 =	simm.s32 @!p0 $0x9600  }
0x3a: {  	[tilespmem:s26], [sflag:$0x1] =	stream.indirect.gather @!p0 [hbm4b:s3+s28], $0x40, s1, s28, $0xb8;
	[tilespmem:$0x1F400] =	vst v63  }
0x3b: {  	_ =	swait.ge [sflag:s20], $0x3200  }
0x3c: {  	[sflag:s20] =	ssyncset.done $0x0  }
0x3d: {  	[sflag:s20] =	ssyncadd.s32 $0xFFFFCE00  }
0x3e: {  	_ =	swait.ge [sflag:s20], $0x3200  }
0x3f: {  	[sflag:s20] =	ssyncset.done $0x0  }
0x40: {  	s31 =	sadd.s32 $0x1900, s6;
	[sflag:s20] =	ssyncadd.s32 $0xFFFFCE00  }
0x41: {  	[hbm4b:s31+s2] =	stream.linear.scatter [tilespmem:s15], [sflag:$0x7], $0x6400, $0x38;
	[tilespmem:$0x1F400] =	vst v63  }
0x42: {  	_ =	swait.ge [sflag:s21], $0x6400  }
0x43: {  	[sflag:s21] =	ssyncset.done $0x0  }
0x44: {  	s1 =	simm.s32 @!p0 $0x7D0;
	s26 =	simm.s32 @!p0 $0xC800;
	[sflag:s21] =	ssyncadd.s32 $0xFFFF9C00  }
0x45: {  	[tilespmem:s26], [sflag:$0x2] =	stream.indirect.gather @!p0 [hbm4b:s3+s28], $0x40, s1, s28, $0xb8;
	[tilespmem:$0x1F400] =	vst v63  }
0x46: {  	s1 =	simm.s32 @!p0 $0x898;
	s26 =	simm.s32 @!p0 $0xFA00  }
0x47: {  	[tilespmem:s26], [sflag:$0x2] =	stream.indirect.gather @!p0 [hbm4b:s3+s28], $0x40, s1, s28, $0xb8;
	[tilespmem:$0x1F400] =	vst v63  }
0x48: {  	_ =	swait.ge [sflag:s22], $0x3200  }
0x49: {  	[sflag:s22] =	ssyncset.done $0x0  }
0x4a: {  	s29 =	simm.s32 $0x3200;
	[sflag:s22] =	ssyncadd.s32 $0xFFFFCE00  }
0x4b: {  	p1 =	por $0x0, $0x0;
	s28 =	simm.s32 $0x1900;
	_ =	swait.ge [sflag:s22], $0x3200  }
0x4c: {  	s26 =	sadd.s32 $0x3200, s6;
	s1 =	sadd.s32 $0x2580, s6;
	[sflag:s22] =	ssyncset.done $0x0  }
.LBB2_2:
0x4d: {  	s0 =	simm.s32 @!p1 $0x7;
	[sflag:s22] =	ssyncadd.s32 $0xFFFFCE00  }
0x4e: {  	[hbm4b:s1+s2] =	stream.linear.scatter [tilespmem:s17], [sflag:$0x8], $0x6400, $0x38;
	[tilespmem:$0x1F400] =	vst v63  }
0x4f: {  	_ =	swait.ge @!p1 [sflag:s0], $0x6400  }
0x50: {  	s1 =	sshra.s32 s28, $0x2;
	[sflag:s0] =	ssyncset.done @!p1 $0x0  }
0x51: {  	s11 =	sadd.s32 $0x320, s1;
	[sflag:s0] =	ssyncadd.s32 @!p1 $0xFFFF9C00  }
0x52: {  	[tilespmem:s15], [sflag:$0x3] =	stream.indirect.gather [hbm4b:s3+s8], $0x40, s11, s8, $0xb8;
	[tilespmem:$0x1F400] =	vst v63  }
0x53: {  	s13 =	sadd.s32 $0x3E8, s1;
	s10 =	rddreg [dreg:$0x4]  }
0x54: {  	[tilespmem:s10], [sflag:$0x3] =	stream.indirect.gather [hbm4b:s3+s8], $0x40, s13, s8, $0xb8;
	[tilespmem:$0x1F400] =	vst v63  }
0x55: {  	_ =	swait.ge [sflag:s16], $0x3200  }
0x56: {  	[sflag:s16] =	ssyncset.done $0x0  }
0x57: {  	[sflag:s16] =	ssyncadd.s32 $0xFFFFCE00  }
0x58: {  	_ =	swait.ge [sflag:s16], $0x3200  }
0x59: {  	[sflag:s16] =	ssyncset.done $0x0  }
0x5a: {  	s0 =	simm.s32 @!p1 $0x8;
	[sflag:s16] =	ssyncadd.s32 $0xFFFFCE00  }
0x5b: {  	[hbm4b:s26+s2] =	stream.linear.scatter [tilespmem:s9], [sflag:$0x5], $0x6400, $0x38;
	[tilespmem:$0x1F400] =	vst v63  }
0x5c: {  	_ =	swait.ge @!p1 [sflag:s0], $0x6400  }
0x5d: {  	[sflag:s0] =	ssyncset.done @!p1 $0x0  }
0x5e: {  	s11 =	sadd.s32 $0x4B0, s1;
	[sflag:s0] =	ssyncadd.s32 @!p1 $0xFFFF9C00  }
0x5f: {  	[tilespmem:s17], [sflag:$0x4] =	stream.indirect.gather [hbm4b:s3+s8], $0x40, s11, s8, $0xb8;
	[tilespmem:$0x1F400] =	vst v63  }
0x60: {  	s13 =	rddreg [dreg:$0x5];
	s11 =	sadd.s32 $0x578, s1  }
0x61: {  	[tilespmem:s13], [sflag:$0x4] =	stream.indirect.gather [hbm4b:s3+s8], $0x40, s11, s8, $0xb8;
	[tilespmem:$0x1F400] =	vst v63  }
0x62: {  	_ =	swait.ge [sflag:s18], $0x3200  }
0x63: {  	[sflag:s18] =	ssyncset.done $0x0  }
0x64: {  	[sflag:s18] =	ssyncadd.s32 $0xFFFFCE00  }
0x65: {  	_ =	swait.ge [sflag:s18], $0x3200  }
0x66: {  	[sflag:s18] =	ssyncset.done $0x0  }
0x67: {  	s13 =	sadd.s32 $0xC80, s26;
	[sflag:s18] =	ssyncadd.s32 $0xFFFFCE00  }
0x68: {  	[hbm4b:s13+s2] =	stream.linear.scatter [tilespmem:s12], [sflag:$0x6], $0x6400, $0x38;
	[tilespmem:$0x1F400] =	vst v63  }
0x69: {  	p1 =	seq.s32 s28, $0x17700;
	_ =	swait.ge [sflag:s19], $0x6400  }
0x6a: {  	s0 =	sshra.s32 @!p1 s28, $0x2;
	s1 =	simm.s32 @!p1 $0x6400;
	[sflag:s19] =	ssyncset.done $0x0  }
0x6b: {  	s10 =	sadd.s32 @!p1 $0x640, s0;
	s11 =	simm.s32 @!p1 $0xC8;
	[sflag:s19] =	ssyncadd.s32 $0xFFFF9C00  }
0x6c: {  	[tilespmem:s1], [sflag:$0x1] =	stream.indirect.gather @!p1 [hbm4b:s3+s11], $0x40, s10, s11, $0xb8;
	[tilespmem:$0x1F400] =	vst v63  }
0x6d: {  	s1 =	sadd.s32 @!p1 $0x708, s0;
	s10 =	simm.s32 @!p1 $0x9600  }
0x6e: {  	[tilespmem:s10], [sflag:$0x1] =	stream.indirect.gather @!p1 [hbm4b:s3+s11], $0x40, s1, s11, $0xb8;
	[tilespmem:$0x1F400] =	vst v63  }
0x6f: {  	_ =	swait.ge [sflag:s20], $0x3200  }
0x70: {  	[sflag:s20] =	ssyncset.done $0x0  }
0x71: {  	[sflag:s20] =	ssyncadd.s32 $0xFFFFCE00  }
0x72: {  	_ =	swait.ge [sflag:s20], $0x3200  }
0x73: {  	s31 =	smov.u32 s29;
	[sflag:s20] =	ssyncset.done $0x0  }
0x74: {  	s28 =	smov.u32 s31;
	s31 =	sadd.s32 $0x1900, s26;
	[sflag:s20] =	ssyncadd.s32 $0xFFFFCE00  }
0x75: {  	[hbm4b:s31+s2] =	stream.linear.scatter [tilespmem:s15], [sflag:$0x7], $0x6400, $0x38;
	[tilespmem:$0x1F400] =	vst v63  }
0x76: {  	_ =	swait.ge [sflag:s21], $0x6400  }
0x77: {  	s29 =	sadd.s32 $0x1900, s29;
	[sflag:s21] =	ssyncset.done $0x0  }
0x78: {  	s13 =	sadd.s32 @!p1 $0x7D0, s0;
	s1 =	simm.s32 @!p1 $0xC800;
	[sflag:s21] =	ssyncadd.s32 $0xFFFF9C00  }
0x79: {  	[tilespmem:s1], [sflag:$0x2] =	stream.indirect.gather @!p1 [hbm4b:s3+s11], $0x40, s13, s11, $0xb8;
	[tilespmem:$0x1F400] =	vst v63  }
0x7a: {  	p0 =	sne.s32 s29, $0x19000;
	s0 =	sadd.s32 @!p1 $0x898, s0;
	s1 =	simm.s32 @!p1 $0xFA00  }
0x7b: {  	[tilespmem:s1], [sflag:$0x2] =	stream.indirect.gather @!p1 [hbm4b:s3+s11], $0x40, s0, s11, $0xb8;
	[tilespmem:$0x1F400] =	vst v63  }
.Ltmp0:
0x7c: {  	_ =	swait.ge [sflag:s22], $0x3200;
	(pc) =	sbr.rel @p0 .LBB2_2-.Ltmp0, $4  }
0x7d: {  	[sflag:s22] =	ssyncset.done $0x0  }
0x7e: {  	[sflag:s22] =	ssyncadd.s32 $0xFFFFCE00  }
0x7f: {  	s30 =	smov.u32 s26;
	s26 =	sadd.s32 $0x3200, s26;
	_ =	swait.ge [sflag:s22], $0x3200  }
0x80: {  	p1 =	seq.s32 s28, $0x0;
	s1 =	sadd.s32 $0x2580, s30;
	[sflag:s22] =	ssyncset.done $0x0  }
0x81: {  	s0 =	simm.s32 @!p1 $0x7;
	[sflag:s22] =	ssyncadd.s32 $0xFFFFCE00  }
0x82: {  	[hbm4b:s1+s2] =	stream.linear.scatter [tilespmem:s17], [sflag:$0x8], $0x6400, $0x38;
	[tilespmem:$0x1F400] =	vst v63  }
0x83: {  	_ =	swait.ge @!p1 [sflag:s0], $0x6400  }
0x84: {  	s29 =	sshra.s32 s28, $0x2;
	[sflag:s0] =	ssyncset.done @!p1 $0x0  }
0x85: {  	s30 =	sadd.s32 $0x320, s29;
	[sflag:s0] =	ssyncadd.s32 @!p1 $0xFFFF9C00  }
0x86: {  	[tilespmem:s15], [sflag:$0x3] =	stream.indirect.gather [hbm4b:s3+s8], $0x40, s30, s8, $0xb8;
	[tilespmem:$0x1F400] =	vst v63  }
0x87: {  	s31 =	sadd.s32 $0x3E8, s29;
	s10 =	rddreg [dreg:$0x4]  }
0x88: {  	[tilespmem:s10], [sflag:$0x3] =	stream.indirect.gather [hbm4b:s3+s8], $0x40, s31, s8, $0xb8;
	[tilespmem:$0x1F400] =	vst v63  }
0x89: {  	_ =	swait.ge [sflag:s16], $0x3200  }
0x8a: {  	[sflag:s16] =	ssyncset.done $0x0  }
0x8b: {  	[sflag:s16] =	ssyncadd.s32 $0xFFFFCE00  }
0x8c: {  	_ =	swait.ge [sflag:s16], $0x3200  }
0x8d: {  	[sflag:s16] =	ssyncset.done $0x0  }
0x8e: {  	s0 =	simm.s32 @!p1 $0x8;
	[sflag:s16] =	ssyncadd.s32 $0xFFFFCE00  }
0x8f: {  	[hbm4b:s26+s2] =	stream.linear.scatter [tilespmem:s9], [sflag:$0x5], $0x6400, $0x38;
	[tilespmem:$0x1F400] =	vst v63  }
0x90: {  	_ =	swait.ge @!p1 [sflag:s0], $0x6400  }
0x91: {  	[sflag:s0] =	ssyncset.done @!p1 $0x0  }
0x92: {  	s10 =	sadd.s32 $0x4B0, s29;
	[sflag:s0] =	ssyncadd.s32 @!p1 $0xFFFF9C00  }
0x93: {  	[tilespmem:s17], [sflag:$0x4] =	stream.indirect.gather [hbm4b:s3+s8], $0x40, s10, s8, $0xb8;
	[tilespmem:$0x1F400] =	vst v63  }
0x94: {  	s13 =	sadd.s32 $0x578, s29;
	s11 =	rddreg [dreg:$0x5]  }
0x95: {  	[tilespmem:s11], [sflag:$0x4] =	stream.indirect.gather [hbm4b:s3+s8], $0x40, s13, s8, $0xb8;
	[tilespmem:$0x1F400] =	vst v63  }
0x96: {  	_ =	swait.ge [sflag:s18], $0x3200  }
0x97: {  	[sflag:s18] =	ssyncset.done $0x0  }
0x98: {  	[sflag:s18] =	ssyncadd.s32 $0xFFFFCE00  }
0x99: {  	_ =	swait.ge [sflag:s18], $0x3200  }
0x9a: {  	[sflag:s18] =	ssyncset.done $0x0  }
0x9b: {  	s29 =	sadd.s32 $0xC80, s26;
	[sflag:s18] =	ssyncadd.s32 $0xFFFFCE00  }
0x9c: {  	[hbm4b:s29+s2] =	stream.linear.scatter [tilespmem:s12], [sflag:$0x6], $0x6400, $0x38;
	[tilespmem:$0x1F400] =	vst v63  }
0x9d: {  	p0 =	seq.s32 s28, $0x17700;
	_ =	swait.ge [sflag:s19], $0x6400  }
0x9e: {  	s1 =	simm.s32 @!p0 $0x6400;
	s0 =	sshra.s32 @!p0 s28, $0x2;
	[sflag:s19] =	ssyncset.done $0x0  }
0x9f: {  	s10 =	sadd.s32 @!p0 $0x640, s0;
	s11 =	simm.s32 @!p0 $0xC8;
	[sflag:s19] =	ssyncadd.s32 $0xFFFF9C00  }
0xa0: {  	[tilespmem:s1], [sflag:$0x1] =	stream.indirect.gather @!p0 [hbm4b:s3+s11], $0x40, s10, s11, $0xb8;
	[tilespmem:$0x1F400] =	vst v63  }
0xa1: {  	s1 =	sadd.s32 @!p0 $0x708, s0;
	s10 =	simm.s32 @!p0 $0x9600  }
0xa2: {  	[tilespmem:s10], [sflag:$0x1] =	stream.indirect.gather @!p0 [hbm4b:s3+s11], $0x40, s1, s11, $0xb8;
	[tilespmem:$0x1F400] =	vst v63  }
0xa3: {  	_ =	swait.ge [sflag:s20], $0x3200  }
0xa4: {  	[sflag:s20] =	ssyncset.done $0x0  }
0xa5: {  	[sflag:s20] =	ssyncadd.s32 $0xFFFFCE00  }
0xa6: {  	_ =	swait.ge [sflag:s20], $0x3200  }
0xa7: {  	[sflag:s20] =	ssyncset.done $0x0  }
0xa8: {  	s30 =	sadd.s32 $0x1900, s26;
	[sflag:s20] =	ssyncadd.s32 $0xFFFFCE00  }
0xa9: {  	[hbm4b:s30+s2] =	stream.linear.scatter [tilespmem:s15], [sflag:$0x7], $0x6400, $0x38;
	[tilespmem:$0x1F400] =	vst v63  }
0xaa: {  	_ =	swait.ge [sflag:s21], $0x6400  }
0xab: {  	[sflag:s21] =	ssyncset.done $0x0  }
0xac: {  	s1 =	sadd.s32 @!p0 $0x7D0, s0;
	s10 =	simm.s32 @!p0 $0xC800;
	[sflag:s21] =	ssyncadd.s32 $0xFFFF9C00  }
0xad: {  	[tilespmem:s10], [sflag:$0x2] =	stream.indirect.gather @!p0 [hbm4b:s3+s11], $0x40, s1, s11, $0xb8;
	[tilespmem:$0x1F400] =	vst v63  }
0xae: {  	s0 =	sadd.s32 @!p0 $0x898, s0;
	s1 =	simm.s32 @!p0 $0xFA00  }
0xaf: {  	[tilespmem:s1], [sflag:$0x2] =	stream.indirect.gather @!p0 [hbm4b:s3+s11], $0x40, s0, s11, $0xb8;
	[tilespmem:$0x1F400] =	vst v63  }
0xb0: {  	_ =	swait.ge [sflag:s22], $0x3200  }
0xb1: {  	[sflag:s22] =	ssyncset.done $0x0  }
0xb2: {  	[sflag:s22] =	ssyncadd.s32 $0xFFFFCE00  }
0xb3: {  	_ =	swait.ge [sflag:s22], $0x3200  }
0xb4: {  	[sflag:s22] =	ssyncset.done $0x0  }
0xb5: {  	s25 =	sadd.s32 $0x1, s25;
	s31 =	sadd.s32 $0x2580, s26;
	[sflag:s22] =	ssyncadd.s32 $0xFFFFCE00  }
0xb6: {  	[hbm4b:s31+s2] =	stream.linear.scatter [tilespmem:s17], [sflag:$0x8], $0x6400, $0x38;
	[tilespmem:$0x1F400] =	vst v63  }
0xb7: {  	p0 =	sne.s32 s25, s5;
	_ =	swait.ge [sflag:s23], $0x6400  }
.Ltmp1:
0xb8: {  	[sflag:s23] =	ssyncset.done $0x0;
	(pc) =	sbr.rel @p0 .LBB2_1-.Ltmp1, $4  }
0xb9: {  	[sflag:s23] =	ssyncadd.s32 $0xFFFF9C00  }
0xba: {  	_ =	swait.ge [sflag:s24], $0x6400  }
0xbb: {  	[sflag:s24] =	ssyncset.done $0x0  }
0xbc: {  	[sflag:s24] =	ssyncadd.s32 $0xFFFF9C00  }
0xbd: {  	_ =	sfence.sel $0x180000  }
0xbe: {  	[bflag:$0x0] =	sbarrier.arrive $0xFFFF  }
0xbf: {  	_ =	strace $0x90000047  }
0xc0: {  	s0 =	stileid.u32;
	[bflag:$0x2] =	sbarrier.arrive $0xFFFF  }
0xc1: {  	p0 =	sne.s32 s0, $0x0;
	s0 =	rddreg [dreg:$0x3]  }
0xc2: {  	s0 =	sadd.s32 @!p0 $0x100000, s0  }
0xc3: {  	[sflag:s0] =	ssyncadd.tile.s32 @!p0 $0x1;
	_ =	shalt  }
.Lfunc_end2:
_tile_overlayer_lowered:
.L_overlay_start_2:
0xc4: {  	(tag) =	ssettag $0x2  }
0xc5: {  	s0 =	rddreg [dreg:$0x0];
	s2 =	stileid.u32  }
0xc6: {  	s1 =	rddreg [dreg:$0x1];
	p0 =	sne.s32 s2, $0x0  }
0xc7: {  	s3 =	rddreg [dreg:$0x2];
	[bflag:$0x3] =	sbarrier.arrive $0xFFFF;
	s2 =	simm.s32 @!p0 $0x1C09  }
0xc8: {  	[timem:s3], [sflag:s2] =	dma.local @!p0 [hbm:s0], s1  }
0xc9: {  	s0 =	simm.s32 @!p0 $0x9  }
0xca: {  	_ =	swait.ge @!p0 [sflag:s0], s1  }
0xcb: {  	s1 =	ssub.s32 @!p0 $0x0, s1;
	[sflag:s0] =	ssyncset.done @!p0 $0x0  }
0xcc: {  	[sflag:s0] =	ssyncadd.s32 @!p0 s1  }
0xcd: {  	[bflag:$0x3] =	sbarrier.arrive $0xFFFF  }
0xce: {  	_ =	shalt  }

// kernel: sparse-core-data-format-call.cloned.1.call-start
scs
called_computation_lowered:
.L_overlay_start_0:
0x0: {  	s2 =	sld [smem:$0x3FD9]  }
0x1: {  	s3 =	sld [smem:$0x3FFE];
	_ =	sdelay $0x1  }
0x2: {  	s1 =	srdreg.scid  }
0x3: {  	s0 =	sand.u32 $0x1, s1  }
0x4: {  	s18 =	sshll.u32 s0, $0xA;
	s2 =	sadd.s32 s3, s2  }
0x5: {  	s2 =	sadd.s32 s2, s18  }
0x6: {  	[smem:$0x3FC6] =	sst s2  }
0x7: {  	_ = 	snop  }
0x8: {  	s2 =	sld [smem:$0x3FD0];
	(tm) =	ssettm $0x1  }
0x9: {  	s19 =	sld [smem:$0x3FFB];
	_ =	sdelay $0x3  }
0xa: {  	_ =	strace s19  }
0xb: {  	s3 =	sld [smem:$0x3FFC];
	_ =	sdelay $0x3  }
0xc: {  	_ =	strace s3  }
0xd: {  	s3 =	sld [smem:$0x3FFD];
	_ =	sdelay $0x3  }
0xe: {  	_ =	strace s3  }
0xf: {  	_ =	strace $0x8FFFFFFF  }
0x10: {  	s20 =	sld [smem:$0x3FDB];
	_ =	sdelay $0x1  }
0x11: {  	s4 =	simm.s32 $_scs_section_size  }
0x12: {  	s5 =	simm.s32 $_size__tile_overlayer_lowered;
	s6 =	simm.s32 $_tile_overlayer_lowered  }
0x13: {  	s23 =	simm.s32 $0x1BFF;
	s22 =	sshll.u32 s6, $0x1;
	s3 =	sadd.s32 s4, s20  }
0x14: {  	s7 =	simm.s32 $0x0;
	s21 =	sshll.u32 s5, $0x1;
	s5 =	sadd.s32 s22, s3  }
0x15: {  	[timem:s7], [sflag:s23] =	dma.local [hbm:s5], s21  }
0x16: {  	_ =	swait.ge [sflag:s23], s21  }
0x17: {  	s4 =	ssub.s32 $0x0, s21;
	[sflag:s23] =	ssyncset.done $0x0  }
0x18: {  	[sflag:s23] =	ssyncadd.s32 s4;
	_ =	sdelay $0x1  }
0x19: {  	s24 =	simm.s32 $0x1B8B  }
0x1a: {  	_ =	swait.ge [sflag:s24], $0x1  }
0x1b: {  	[sflag:s24] =	ssyncset.done $0x0  }
0x1c: {  	s26 =	simm.s32 $0x1B8E;
	s25 =	sld [smem:$0x3FFE];
	[sflag:s24] =	ssyncadd.s32 $0xFFFFFFFF  }
0x1d: {  	s27 =	simm.s32 $execute0_lowered;
	[smem:$0x3FD2] =	sst s26  }
0x1e: {  	s5 =	sshll.u32 s27, $0x1;
	_ =	strace $0x80000049;
	[dreg:$0x1] =	wrdreg $0xFFFFFFFF  }
0x1f: {  	s28 =	simm.s32 $_size_execute0_lowered;
	s3 =	sadd.s32 s3, s5;
	[dreg:$0x0] =	wrdreg $0x0  }
0x20: {  	s5 =	sshll.u32 s28, $0x1;
	[dreg:$0x2] =	wrdreg s3  }
0x21: {  	[dreg:$0x3] =	wrdreg s5  }
0x22: {  	[dreg:$0x4] =	wrdreg $0xC0  }
0x23: {  	_ =	task [dreg:s7], $0x5FFFF  }
0x24: {  	[dreg:$0x1] =	wrdreg $0xFFFFFFFF  }
0x25: {  	[dreg:$0x0] =	wrdreg $0x60  }
0x26: {  	[dreg:$0x2] =	wrdreg s25  }
0x27: {  	[dreg:$0x3] =	wrdreg s2  }
0x28: {  	[dreg:$0x4] =	wrdreg $0x9  }
0x29: {  	_ =	task.clear_ibuf [dreg:s7], $0x5FFFF;
	_ =	strace $0x90000049  }
0x2a: {  	s29 =	simm.s32 $0x9;
	_ =	strace $0x8000004B  }
0x2b: {  	_ =	swait.ge [sflag:s29], $0x1  }
0x2c: {  	[sflag:s29] =	ssyncadd.s32 $0xFFFFFFFF  }
0x2d: {  	_ =	strace $0x9000004B  }
0x2e: {  	_ =	sfence  }
0x2f: {  	s30 =	sld [smem:$0x0];
	_ =	sdelay $0x2  }
0x30: {  	s31 =	sshll.u32 s1, $0xD;
	s1 =	sshrl.u32 s1, $0x2  }
0x31: {  	s3 =	sand.u32 $0x4000, s31;
	s1 =	sadd.s32 s1, s30  }
0x32: {  	s0 =	sor.u32 s3, s0;
	s1 =	sshll.u32 s1, $0x11  }
0x33: {  	s0 =	sor.u32 s1, s0  }
0x34: {  	s0 =	sadd.s32 $0x8F2B, s0  }
0x35: {  	[sflag:s0] =	ssyncadd.remote.s32 $0x1  }
0x36: {  	_ =	sfence.sel $0xFFFF  }
0x37: {  	[dreg:$0x0] =	wrdreg $0xFFFFFFFF;
	(pc) =	sbr.abs _section_cstart, $3  }
0x38: {  	[dreg:$0x1] =	wrdreg $0xFFFFFFFF  }
0x39: {  	_ =	task.clear_ibuf [dreg:s7], $0x2FFFF;
	_ =	strace $0x9FFFFFFF  }
0x3a: {  	(tm) =	ssettm $0x7FFFFFFF  }
0x3b: {  	_ =	shalt  }
tec
execute0_lowered:
.L_overlay_start_1:
0x0: {  	(tag) =	ssettag $0x1  }
0x1: {  	s0 =	srdreg.scid  }
0x2: {  	s1 =	sshll.u32 s0, $0x4  }
0x3: {  	s0 =	stileid.u32;
	s1 =	sand.u32 $0x10, s1  }
0x4: {  	s1 =	sor.u32 s0, s1  }
0x5: {  	s6 =	rddreg [dreg:$0x0];
	s4 =	simm.s32 $0x1;
	s2 =	sshll.u32 s1, $0x7  }
0x6: {  	s7 =	simm.s32 $0x2;
	s12 =	simm.s32 $0x0;
	s1 =	ssub.s32 $0x1000, s2  }
0x7: {  	s8 =	simm.s32 $0x8000;
	s13 =	simm.s32 $0x0;
	s3 =	sand.u32 $0xF80, s1  }
0x8: {  	s9 =	simm.s32 $0x0;
	s5 =	sshrl.u32 s1, $0xC;
	p0 =	sne.s32 s3, $0x0  }
.Ltmp0:
0x9: {  	s1 =	rddreg [dreg:$0x2];
	s4 =	simm.s32 @!p0 $0x0;
	(pc) =	sbr.rel .LBB1_1-.Ltmp0, $4  }
0xa: {  	s11 =	simm.s32 $0x0;
	s3 =	rddreg [dreg:$0x1];
	s5 =	sadd.s32 s4, s5  }
0xb: {  	_ =	strace $0x8000004A;
	s4 =	simm.s32 $0x1;
	s5 =	smul.u32 $0xC8, s5  }
0xc: {  	s6 =	sadd.s32 $0x800, s6;
	s10 =	smov.u32 s2;
	[sflag:s4] =	ssyncpa.u1 $0x0  }
0xd: {  	p0 =	por $0x0, $0x0;
	[sflag:s7] =	ssyncpa.u1 $0x0;
	s7 =	sor.u32 $0x1, s5  }
.LBB1_4:
0xe: {  	s16 =	sshll.u32 s13, $0x3;
	s17 =	sand.u32 $0x78, s13  }
0xf: {  	s30 =	sand.u32 $0x7E00, s13;
	s12 =	sshll.u32 s12, $0xF;
	s16 =	sand.u32 $0xC00, s16  }
0x10: {  	[tilespmem:s15+$0x810 ss:$0x81] =	vst.msk $0xffff, v2;
	s31 =	sand.u32 $0x7, s13;
	s16 =	sor.u32 s17, s16;
	s17 =	sadd.s32 s3, s30  }
0x11: {  	[tilespmem:s15+$0x1020 ss:$0x81] =	vst.msk $0xffff, v0;
	s13 =	sshll.u32 s31, $0x12;
	s12 =	sadd.s32 s12, s17;
	s16 =	sshrl.u32 s16, $0x3  }
0x12: {  	[tilespmem:s15+$0x0 ss:$0x81] =	vst.msk $0xffff, v1;
	s13 =	sor.u32 $0x400, s13;
	s12 =	sadd.s32 s16, s12  }
0x13: {  	[hbm4b:s12+s13] =	stream.strided.scatter [tilespmem:s14], [sflag:$0x2], $0x2000, s8, s13, $0x20;
	[tilespmem:$0x8080] =	vst v63  }
.LBB1_5:
0x14: {  	s14 =	sadd.s32 $0x1, s9  }
0x15: {  	s12 =	sadd.s32 $0x1000, s10;
	s16 =	smov.u32 s10;
	p2 =	sgt.s32 s14, $0xC7  }
0x16: {  	s16 =	smov.u32 @p2 s12  }
0x17: {  	s14 =	simm.s32 @p2 $0x0;
	p2 =	sgt.s32 s16, $0xFFF  }
0x18: {  	s16 =	smov.u32 @p2 s2;
	p2 =	sne.s32 s11, s7  }
.Ltmp1:
0x19: {  	p1 =	slt.u32 s11, $0x2;
	(pc) =	sbr.rel @!p2 .LBB1_6-.Ltmp1, $4  }
0x1a: {  	s15 =	simm.s32 @!p1 $0x2  }
0x1b: {  	s13 =	smov.u32 s10;
	p0 =	por !p0, !p0;
	_ =	swait.ge @!p1 [sflag:s15], $0x2000  }
0x1c: {  	s12 =	smov.u32 s9;
	[sflag:s15] =	ssyncset.done @!p1 $0x0;
	s9 =	smov.u32 s14  }
0x1d: {  	s11 =	sadd.s32 $0x1, s11;
	[sflag:s15] =	ssyncadd.s32 @!p1 $0xFFFFE000;
	s10 =	smov.u32 s16  }
.LBB1_1:
0x1e: {  	p1 =	sge.u32 s11, s5  }
0x1f: {  	s14 =	sand.u32 @!p1 $0x1FFFFFF, s9  }
0x20: {  	s15 =	smulhi.u32 @!p1 $0x147AE15, s14;
	_ =	sdelay $0x1  }
0x21: {  	s15 =	smul.u32 @!p1 $0xC8, s15  }
0x22: {  	s16 =	sxor.u32 @!p1 $0xFFFFFFFF, s11;
	s17 =	smul.u32 @!p1 $0xC80, s10  }
0x23: {  	s31 =	sadd.s32 $0xFFFFFFFF, s11;
	s16 =	sshll.u32 @!p1 s16, $0xD;
	s14 =	ssub.s32 @!p1 s14, s15  }
0x24: {  	s15 =	sand.u32 @!p1 $0x2000, s16;
	s16 =	sadd.s32 @!p1 s6, s17;
	s14 =	sshll.u32 @!p1 s14, $0x4  }
0x25: {  	s17 =	simm.s32 @!p1 $0x6400;
	s14 =	sadd.s32 @!p1 s14, s16;
	s16 =	simm.s32 @!p1 $0x40  }
0x26: {  	[tilespmem:s15], [sflag:$0x1] =	stream.strided.gather @!p1 [hbm4b:s14+s16], $0x2000, s17, s16, $0x38;
	[tilespmem:$0x8080] =	vst v63  }
0x27: {  	p1 =	sge.u32 s31, s5  }
.Ltmp2:
0x28: {  	_ = 	snop;
	(pc) =	sbr.rel @p1 .LBB1_5-.Ltmp2, $1  }
0x29: {  	_ =	sdelay $0x3  }
0x2a: {  	s14 =	simm.s32 $0x1  }
0x2b: {  	_ =	swait.ge [sflag:s4], $0x2000;
	s14 =	simm.s32 @!p0 $0x0  }
0x2c: {  	[sflag:s4] =	ssyncset.done $0x0;
	s15 =	sshll.u32 s14, $0xD  }
0x2d: {  	[sflag:s4] =	ssyncadd.s32 $0xFFFFE000;
	s18 =	sor.u32 $0x20, s15  }
0x2e: {  	s14 =	smul.u32 $0x8100, s14;
	v3 =	vld [tilespmem:s18+$0x10]  }
0x2f: {  	s30 =	sand.u32 $0x1, s11;
	v2 =	vld [tilespmem:s18+$0xFFFFFFF0]  }
0x30: {  	s15 =	smul.u32 $0x8100, s30;
	s14 =	sshrl.u32 s14, $0x2;
	v0 =	vld [tilespmem:s18+$0x0]  }
0x31: {  	v1 =	vld [tilespmem:s18+$0xFFFFFFE0];
	s16 =	sor.u32 $0x4000, s14  }
0x32: {  	s31 =	sshrl.u32 s15, $0x2;
	s15 =	sadd.s32 $0x0, s16  }
0x33: {  	s17 =	simm.s32 $0x4;
	s18 =	sadd.s32 $0x40, s18;
	s14 =	sor.u32 $0x4000, s31;
	[tilespmem:s15+$0x1830 ss:$0x81] =	vst.msk $0xffff, v3  }
.LBB1_3:
0x34: {  	v3 =	vld [tilespmem:s18+$0x10];
	p1 =	sne.s32 s17, $0x1FC;
	[tilespmem:s15+$0x810 ss:$0x81] =	vst.msk $0xffff, v2;
	s19 =	smov.u32 s17;
	s17 =	sadd.s32 $0x4, s17  }
.Ltmp3:
0x35: {  	v2 =	vld [tilespmem:s18+$0xFFFFFFF0];
	[tilespmem:s15+$0x1020 ss:$0x81] =	vst.msk $0xffff, v0;
	(pc) =	sbr.rel @p1 .LBB1_3-.Ltmp3, $4  }
0x36: {  	v0 =	vld [tilespmem:s18+$0x0];
	[tilespmem:s15+$0x0 ss:$0x81] =	vst.msk $0xffff, v1  }
0x37: {  	s15 =	sshra.s32 s19, $0x2;
	v1 =	vld [tilespmem:s18+$0xFFFFFFE0]  }
0x38: {  	s15 =	sadd.s32 s15, s16  }
0x39: {  	s18 =	sadd.s32 $0x40, s18;
	[tilespmem:s15+$0x1830 ss:$0x81] =	vst.msk $0xffff, v3  }
.Ltmp4:
0x3a: {  	_ = 	snop;
	(pc) =	sbr.rel .LBB1_4-.Ltmp4, $1  }
0x3b: {  	_ =	sdelay $0x3  }
.LBB1_6:
0x3c: {  	_ =	sfence.sel $0x180000  }
0x3d: {  	s2 =	simm.s32 $0x1;
	[bflag:$0x0] =	sbarrier.arrive $0xFFFF  }
0x3e: {  	s31 =	simm.s32 $0x2;
	[sflag:s2] =	ssyncpa.u1 $0x1  }
0x3f: {  	[sflag:s31] =	ssyncpa.u1 $0x1  }
0x40: {  	p0 =	sne.s32 s0, $0x0;
	_ =	strace $0x9000004A  }
0x41: {  	s0 =	sadd.s32 @!p0 $0x100000, s1;
	[bflag:$0x2] =	sbarrier.arrive $0xFFFF  }
0x42: {  	[sflag:s0] =	ssyncadd.tile.s32 @!p0 $0x1;
	_ =	shalt  }
.Lfunc_end1:
_tile_overlayer_lowered:
.L_overlay_start_2:
0x43: {  	(tag) =	ssettag $0x2  }
0x44: {  	s0 =	rddreg [dreg:$0x0];
	s2 =	stileid.u32  }
0x45: {  	s1 =	rddreg [dreg:$0x1];
	p0 =	sne.s32 s2, $0x0  }
0x46: {  	s3 =	rddreg [dreg:$0x2];
	[bflag:$0x3] =	sbarrier.arrive $0xFFFF;
	s2 =	simm.s32 @!p0 $0x1C01  }
0x47: {  	[timem:s3], [sflag:s2] =	dma.local @!p0 [hbm:s0], s1  }
0x48: {  	s0 =	simm.s32 @!p0 $0x1  }
0x49: {  	_ =	swait.ge @!p0 [sflag:s0], s1  }
0x4a: {  	s1 =	ssub.s32 @!p0 $0x0, s1;
	[sflag:s0] =	ssyncset.done @!p0 $0x0  }
0x4b: {  	[sflag:s0] =	ssyncadd.s32 @!p0 s1  }
0x4c: {  	[bflag:$0x3] =	sbarrier.arrive $0xFFFF  }
0x4d: {  	_ =	shalt  }

</sc_bundles>
